<compile_context>
chip_gen: v7x
topology: tpu7x:2x2x1
jax: 0.10.2.dev20260603
libtpu: 0.0.44.dev20260713+nightly
codegen_flags: <defaults>
</compile_context>

<pallas_src>
import functools

import jax
import jax.numpy as jnp
from jax import lax
from jax.experimental import pallas as pl
from jax.experimental.pallas import tpu as pltpu
from jax.experimental.pallas import tpu_sc as plsc

ALPHA = 0.8
GAMMA = 0.8

NC = 2
NS = 16
NW = NC * NS
LANES = 16

CH = 8192
SC_GRAIN = NW * CH * 2

BLK = 64 * 2048


def _sc_body(n_sc, base, q_hbm, a_hbm, b_hbm, p_hbm, out_hbm, *scratch):
    bufs = (scratch[0:4], scratch[4:8])
    sin = scratch[8:10]
    sout = scratch[10:12]
    per_w = n_sc // NW
    wid = lax.axis_index("s") * NC + lax.axis_index("c")
    base0 = wid * per_w
    nch = per_w // CH

    def in_copies(c, bset, sem):
        sl = pl.ds(base + base0 + c * CH, CH)
        q_v, a_v, b_v, p_v = bset
        srcs = (q_hbm.at[:, sl], a_hbm.at[sl], b_hbm.at[sl], p_hbm.at[sl])
        dsts = (q_v, a_v, b_v, p_v)
        return [pltpu.make_async_copy(s, d, sem) for s, d in zip(srcs, dsts)]

    def out_copies(c, bset, sem):
        sl = pl.ds(base + base0 + c * CH, CH)
        q_v = bset[0]
        return [pltpu.make_async_copy(q_v, out_hbm.at[:, sl], sem)]

    def compute(bset):
        q_v, a_v, b_v, p_v = bset
        lane = lax.iota(jnp.int32, LANES)

        @plsc.parallel_loop(0, CH // LANES, unroll=4)
        def body(i):
            s = pl.ds(i * LANES, LANES)
            av = a_v[s]
            bv = b_v[s]
            pv = p_v[s]
            pos = i * LANES + lane
            b2 = bv + bv
            pa = av + av + bv
            g0 = plsc.load_gather(q_v, [b2, pos])
            g1 = plsc.load_gather(q_v, [b2 + 1, pos])
            old = plsc.load_gather(q_v, [pa, pos])
            m = jnp.maximum(g0, g1)
            u = old + ALPHA * (pv + GAMMA * m - old)
            plsc.store_scatter(q_v, [pa, pos], u)

    for cp in in_copies(0, bufs[0], sin[0]):
        cp.start()

    def outer(t, carry):
        for b in (0, 1):
            cur = 2 * t + b
            nxt = cur + 1
            ob = 1 - b

            @pl.when(nxt < nch)
            def _prefetch():
                @pl.when(nxt >= 2)
                def _drain():
                    for cp in out_copies(nxt - 2, bufs[ob], sout[ob]):
                        cp.wait()

                for cp in in_copies(nxt, bufs[ob], sin[ob]):
                    cp.start()

            for cp in in_copies(cur, bufs[b], sin[b]):
                cp.wait()
            compute(bufs[b])
            for cp in out_copies(cur, bufs[b], sout[b]):
                cp.start()
        return carry

    lax.fori_loop(0, nch // 2, outer, 0)
    for cp in out_copies(nch - 2, bufs[0], sout[0]):
        cp.wait()
    for cp in out_copies(nch - 1, bufs[1], sout[1]):
        cp.wait()


@functools.lru_cache(maxsize=None)
def _make_sc_update(n_sc, base):
    mesh = plsc.VectorSubcoreMesh(
        core_axis_name="c", subcore_axis_name="s",
        num_cores=NC, num_subcores=NS,
    )
    return pl.kernel(
        functools.partial(_sc_body, n_sc, base),
        out_type=jax.ShapeDtypeStruct((4, base + n_sc), jnp.float32),
        mesh=mesh,
        compiler_params=pltpu.CompilerParams(needs_layout_passes=False),
        scratch_types=(
            [pltpu.VMEM((4, CH), jnp.float32)]
            + [pltpu.VMEM((CH,), jnp.int32)] * 2
            + [pltpu.VMEM((CH,), jnp.float32)]
        ) * 2 + [pltpu.SemaphoreType.DMA] * 4,
    )


def _tc_kernel(q_ref, a_ref, b_ref, p_ref, o_ref):
    q00 = q_ref[0, 0]
    q01 = q_ref[0, 1]
    q10 = q_ref[1, 0]
    q11 = q_ref[1, 1]
    a = a_ref[...]
    b = b_ref[...]
    p = p_ref[...]

    b0 = b == 0
    m = jnp.where(b0, jnp.maximum(q00, q01), jnp.maximum(q10, q11))
    old = jnp.where(
        a == 0, jnp.where(b0, q00, q01), jnp.where(b0, q10, q11)
    )
    u = old + ALPHA * (p + GAMMA * m - old)

    a0 = a == 0
    o_ref[0, 0] = jnp.where(a0 & b0, u, q00)
    o_ref[0, 1] = jnp.where(a0 & ~b0, u, q01)
    o_ref[1, 0] = jnp.where(~a0 & b0, u, q10)
    o_ref[1, 1] = jnp.where(~a0 & ~b0, u, q11)


def _tc_call(qt, a, b, p, n, n_tc):
    q_spec = pl.BlockSpec((2, 2, BLK), lambda i: (0, 0, i))
    v_spec = pl.BlockSpec((BLK,), lambda i: (i,))
    return pl.pallas_call(
        _tc_kernel,
        grid=(n_tc // BLK,),
        in_specs=[q_spec, v_spec, v_spec, v_spec],
        out_specs=q_spec,
        out_shape=jax.ShapeDtypeStruct((2, 2, n), jnp.float32),
        compiler_params=pltpu.CompilerParams(
            dimension_semantics=("arbitrary",),
        ),
    )(qt, a, b, p)


@jax.jit
def kernel(type_t_matrix, type_t1_matrix, Q_tensor, profit_matrix):
    n = type_t_matrix.size
    a = type_t_matrix.reshape(n).astype(jnp.int32)
    b = type_t1_matrix.reshape(n).astype(jnp.int32)
    p = profit_matrix.reshape(n).astype(jnp.float32)
    qt = jnp.transpose(Q_tensor, (1, 2, 0))
    q4 = qt.reshape(4, n)

    n_sc = (n // 8) // SC_GRAIN * SC_GRAIN
    if n_sc == 0 or (n - n_sc) % BLK:
        n_sc = n if n % SC_GRAIN == 0 else 0
    n_tc = n - n_sc

    if n_sc:
        sc_out = _make_sc_update(n_sc, n_tc)(q4, a, b, p)
    if n_tc:
        out = _tc_call(qt, a, b, p, n, n_tc)
        if n_sc:
            out = lax.dynamic_update_slice(
                out, sc_out[:, n_tc:].reshape(2, 2, n_sc), (0, 0, n_tc)
            )
    else:
        out = sc_out.reshape(2, 2, n)
    return jnp.transpose(out, (2, 0, 1))

# --- scband reference (transcript-rebuilt; emitter-appended) ---
"""Pipeline reference for scband-spgg-qlearning-14242111553552 (READ-ONLY COPY).

The authoritative reference and input builder live on the scoring server;
editing this copy changes nothing except your own understanding.
"""

import jax, jax.numpy as jnp
import numpy as np

L_NUM = 2048
ALPHA = 0.8
GAMMA = 0.8


def setup_inputs(seed: int = 0) -> dict:
    key = jax.random.key(seed)
    k1, k2, k3, k4 = jax.random.split(key, 4)
    N = L_NUM * L_NUM
    type_t_matrix = jax.random.randint(k1, (L_NUM, L_NUM), 0, 2)
    type_t1_matrix = jax.random.randint(k2, (L_NUM, L_NUM), 0, 2)
    Q_tensor = jax.random.normal(k3, (N, 2, 2), dtype=jnp.float32)
    profit_matrix = jax.random.normal(k4, (L_NUM, L_NUM), dtype=jnp.float32)
    return {
        "type_t_matrix": type_t_matrix,
        "type_t1_matrix": type_t1_matrix,
        "Q_tensor": Q_tensor,
        "profit_matrix": profit_matrix,
    }


def reference(type_t_matrix, type_t1_matrix, Q_tensor, profit_matrix):
    # Faithful translation of SPGG_Qlearning.updateQMatrix (the core
    # gather + scatter-overwrite Q-update used every epoch).
    N = type_t_matrix.size
    C_indices = jnp.arange(N)
    A_indices = type_t_matrix.reshape(-1).astype(jnp.int32)
    B_indices = type_t1_matrix.reshape(-1).astype(jnp.int32)
    # max_a' Q[s', a', :] -> torch.max(Q_tensor[C, B], dim=1)
    q_next = Q_tensor[C_indices, B_indices]          # [N, 2] gather
    max_values = jnp.max(q_next, axis=1)             # [N]
    old_q = Q_tensor[C_indices, A_indices, B_indices]  # [N] gather
    update_values = old_q + ALPHA * (
        profit_matrix.reshape(-1) + GAMMA * max_values - old_q
    )
    # scatter-overwrite into the Q table
    Q_new = Q_tensor.at[C_indices, A_indices, B_indices].set(update_values)
    return Q_new

if __name__ == "__main__":
    import jax
    _d = setup_inputs()
    print(jax.jit(kernel)(*tuple(_d.values())))

</pallas_src>

<mosaic_0001>
#map = affine_map<(d0, d1) -> (0, 0)>
#map1 = affine_map<(d0, d1) -> (0)>
module attributes {stable_mosaic.version = 14 : i64} {
  func.func @_sc_body(%arg0: i32, %arg1: i32, %arg2: memref<4x4194304xf32, #tpu.memory_space<hbm>>, %arg3: memref<4194304xi32, #tpu.memory_space<hbm>>, %arg4: memref<4194304xi32, #tpu.memory_space<hbm>>, %arg5: memref<4194304xf32, #tpu.memory_space<hbm>>, %arg6: memref<4x4194304xf32, #tpu.memory_space<hbm>>, %arg7: memref<4x8192xf32, #tpu.memory_space<vmem>>, %arg8: memref<8192xi32, #tpu.memory_space<vmem>>, %arg9: memref<8192xi32, #tpu.memory_space<vmem>>, %arg10: memref<8192xf32, #tpu.memory_space<vmem>>, %arg11: memref<4x8192xf32, #tpu.memory_space<vmem>>, %arg12: memref<8192xi32, #tpu.memory_space<vmem>>, %arg13: memref<8192xi32, #tpu.memory_space<vmem>>, %arg14: memref<8192xf32, #tpu.memory_space<vmem>>, %arg15: memref<!tpu.dma_semaphore, #tpu.memory_space<semaphore_mem>>, %arg16: memref<!tpu.dma_semaphore, #tpu.memory_space<semaphore_mem>>, %arg17: memref<!tpu.dma_semaphore, #tpu.memory_space<semaphore_mem>>, %arg18: memref<!tpu.dma_semaphore, #tpu.memory_space<semaphore_mem>>) attributes {dimension_semantics = [#tpu.dimension_semantics<core_parallel>, #tpu.dimension_semantics<subcore_parallel>], iteration_bounds = array<i64: 2, 16>, scalar_prefetch = 0 : i64, scratch_operands = 12 : i64, tpu.core_type = #tpu.core_type<sc_vector_subcore>, window_params = [{transform_indices = #map}, {transform_indices = #map1}, {transform_indices = #map1}, {transform_indices = #map1}, {transform_indices = #map}]} {
    %mul3A = arith.constant 2 : i32
    %mul3A_0 = arith.muli %arg1, %mul3A : i32
    %add3A = arith.addi %mul3A_0, %arg0 : i32
    %mul3A_1 = arith.constant 16384 : i32
    %mul3A_2 = arith.muli %add3A, %mul3A_1 : i32
    %add3A_3 = arith.constant 3670016 : i32
    %add3A_4 = arith.addi %add3A_3, %mul3A_2 : i32
    %add3A_5 = arith.constant 0 : i32
    %add3A_6 = arith.addi %add3A_4, %add3A_5 : i32
    %dma_start3A = arith.constant 0 : i32
    %dma_start3A_7 = tpu.memref_slice %arg2[%dma_start3A, %add3A_6] : memref<4x4194304xf32, #tpu.memory_space<hbm>> -> memref<4x8192xf32, #tpu.memory_space<hbm>>
    %dma_start3A_8 = arith.constant 0 : i32
    %dma_start3A_9 = tpu.memref_slice %arg2[%dma_start3A_8, %add3A_6] : memref<4x4194304xf32, #tpu.memory_space<hbm>> -> memref<4x8192xf32, #tpu.memory_space<hbm>>
    tpu.enqueue_dma source(%dma_start3A_9 : memref<4x8192xf32, #tpu.memory_space<hbm>>) target(%arg7 : memref<4x8192xf32, #tpu.memory_space<vmem>>) target_semaphore(%arg15 : memref<!tpu.dma_semaphore, #tpu.memory_space<semaphore_mem>>)
    %dma_start3A_10 = tpu.memref_slice %arg3[%add3A_6] : memref<4194304xi32, #tpu.memory_space<hbm>> -> memref<8192xi32, #tpu.memory_space<hbm>>
    %dma_start3A_11 = tpu.memref_slice %arg3[%add3A_6] : memref<4194304xi32, #tpu.memory_space<hbm>> -> memref<8192xi32, #tpu.memory_space<hbm>>
    tpu.enqueue_dma source(%dma_start3A_11 : memref<8192xi32, #tpu.memory_space<hbm>>) target(%arg8 : memref<8192xi32, #tpu.memory_space<vmem>>) target_semaphore(%arg15 : memref<!tpu.dma_semaphore, #tpu.memory_space<semaphore_mem>>)
    %dma_start3A_12 = tpu.memref_slice %arg4[%add3A_6] : memref<4194304xi32, #tpu.memory_space<hbm>> -> memref<8192xi32, #tpu.memory_space<hbm>>
    %dma_start3A_13 = tpu.memref_slice %arg4[%add3A_6] : memref<4194304xi32, #tpu.memory_space<hbm>> -> memref<8192xi32, #tpu.memory_space<hbm>>
    tpu.enqueue_dma source(%dma_start3A_13 : memref<8192xi32, #tpu.memory_space<hbm>>) target(%arg9 : memref<8192xi32, #tpu.memory_space<vmem>>) target_semaphore(%arg15 : memref<!tpu.dma_semaphore, #tpu.memory_space<semaphore_mem>>)
    %dma_start3A_14 = tpu.memref_slice %arg5[%add3A_6] : memref<4194304xf32, #tpu.memory_space<hbm>> -> memref<8192xf32, #tpu.memory_space<hbm>>
    %dma_start3A_15 = tpu.memref_slice %arg5[%add3A_6] : memref<4194304xf32, #tpu.memory_space<hbm>> -> memref<8192xf32, #tpu.memory_space<hbm>>
    tpu.enqueue_dma source(%dma_start3A_15 : memref<8192xf32, #tpu.memory_space<hbm>>) target(%arg10 : memref<8192xf32, #tpu.memory_space<vmem>>) target_semaphore(%arg15 : memref<!tpu.dma_semaphore, #tpu.memory_space<semaphore_mem>>)
    %scan3A = arith.constant 0 : i32
    %scan3A_16 = arith.constant 0 : i32
    %mul3A_17 = arith.constant 2 : i32
    %mul3A_18 = arith.muli %mul3A_17, %scan3A_16 : i32
    %add3A_19 = arith.constant 0 : i32
    %add3A_20 = arith.addi %mul3A_18, %add3A_19 : i32
    %add3A_21 = arith.constant 1 : i32
    %add3A_22 = arith.addi %add3A_20, %add3A_21 : i32
    %lt3A = arith.constant 2 : i32
    %lt3A_23 = arith.cmpi slt, %add3A_22, %lt3A : i32
    %convert_element_type3A = arith.extui %lt3A_23 : i1 to i32
    %cond3A = arith.constant 0 : i32
    %cond3A_24 = arith.cmpi ne, %convert_element_type3A, %cond3A : i32
    scf.if %cond3A_24 {
      %ge3A = arith.constant 2 : i32
      %ge3A_106 = arith.cmpi sge, %add3A_22, %ge3A : i32
      %convert_element_type3A_107 = arith.extui %ge3A_106 : i1 to i32
      %cond3A_108 = arith.constant 0 : i32
      %cond3A_109 = arith.cmpi ne, %convert_element_type3A_107, %cond3A_108 : i32
      scf.if %cond3A_109 {
        %sub3A = arith.constant 2 : i32
        %sub3A_125 = arith.subi %add3A_22, %sub3A : i32
        %add3A_126 = arith.constant 3670016 : i32
        %add3A_127 = arith.addi %add3A_126, %mul3A_2 : i32
        %mul3A_128 = arith.constant 8192 : i32
        %mul3A_129 = arith.muli %sub3A_125, %mul3A_128 : i32
        %add3A_130 = arith.addi %add3A_127, %mul3A_129 : i32
        %dma_wait3A_131 = arith.constant 0 : i32
        %dma_wait3A_132 = tpu.memref_slice %arg6[%dma_wait3A_131, %add3A_130] : memref<4x4194304xf32, #tpu.memory_space<hbm>> -> memref<4x8192xf32, #tpu.memory_space<hbm>>
        %dma_wait3A_133 = arith.constant 0 : i32
        %dma_wait3A_134 = tpu.memref_slice %arg6[%dma_wait3A_133, %add3A_130] : memref<4x4194304xf32, #tpu.memory_space<hbm>> -> memref<4x8192xf32, #tpu.memory_space<hbm>>
        tpu.wait_dma2 semaphore(%arg18 : memref<!tpu.dma_semaphore, #tpu.memory_space<semaphore_mem>>) src(%arg11 : memref<4x8192xf32, #tpu.memory_space<vmem>>) dst(%dma_wait3A_134 : memref<4x8192xf32, #tpu.memory_space<hbm>>)
      } else {
      }
      %add3A_110 = arith.constant 3670016 : i32
      %add3A_111 = arith.addi %add3A_110, %mul3A_2 : i32
      %mul3A_112 = arith.constant 8192 : i32
      %mul3A_113 = arith.muli %add3A_22, %mul3A_112 : i32
      %add3A_114 = arith.addi %add3A_111, %mul3A_113 : i32
      %dma_start3A_115 = arith.constant 0 : i32
      %dma_start3A_116 = tpu.memref_slice %arg2[%dma_start3A_115, %add3A_114] : memref<4x4194304xf32, #tpu.memory_space<hbm>> -> memref<4x8192xf32, #tpu.memory_space<hbm>>
      %dma_start3A_117 = arith.constant 0 : i32
      %dma_start3A_118 = tpu.memref_slice %arg2[%dma_start3A_117, %add3A_114] : memref<4x4194304xf32, #tpu.memory_space<hbm>> -> memref<4x8192xf32, #tpu.memory_space<hbm>>
      tpu.enqueue_dma source(%dma_start3A_118 : memref<4x8192xf32, #tpu.memory_space<hbm>>) target(%arg11 : memref<4x8192xf32, #tpu.memory_space<vmem>>) target_semaphore(%arg16 : memref<!tpu.dma_semaphore, #tpu.memory_space<semaphore_mem>>)
      %dma_start3A_119 = tpu.memref_slice %arg3[%add3A_114] : memref<4194304xi32, #tpu.memory_space<hbm>> -> memref<8192xi32, #tpu.memory_space<hbm>>
      %dma_start3A_120 = tpu.memref_slice %arg3[%add3A_114] : memref<4194304xi32, #tpu.memory_space<hbm>> -> memref<8192xi32, #tpu.memory_space<hbm>>
      tpu.enqueue_dma source(%dma_start3A_120 : memref<8192xi32, #tpu.memory_space<hbm>>) target(%arg12 : memref<8192xi32, #tpu.memory_space<vmem>>) target_semaphore(%arg16 : memref<!tpu.dma_semaphore, #tpu.memory_space<semaphore_mem>>)
      %dma_start3A_121 = tpu.memref_slice %arg4[%add3A_114] : memref<4194304xi32, #tpu.memory_space<hbm>> -> memref<8192xi32, #tpu.memory_space<hbm>>
      %dma_start3A_122 = tpu.memref_slice %arg4[%add3A_114] : memref<4194304xi32, #tpu.memory_space<hbm>> -> memref<8192xi32, #tpu.memory_space<hbm>>
      tpu.enqueue_dma source(%dma_start3A_122 : memref<8192xi32, #tpu.memory_space<hbm>>) target(%arg13 : memref<8192xi32, #tpu.memory_space<vmem>>) target_semaphore(%arg16 : memref<!tpu.dma_semaphore, #tpu.memory_space<semaphore_mem>>)
      %dma_start3A_123 = tpu.memref_slice %arg5[%add3A_114] : memref<4194304xf32, #tpu.memory_space<hbm>> -> memref<8192xf32, #tpu.memory_space<hbm>>
      %dma_start3A_124 = tpu.memref_slice %arg5[%add3A_114] : memref<4194304xf32, #tpu.memory_space<hbm>> -> memref<8192xf32, #tpu.memory_space<hbm>>
      tpu.enqueue_dma source(%dma_start3A_124 : memref<8192xf32, #tpu.memory_space<hbm>>) target(%arg14 : memref<8192xf32, #tpu.memory_space<vmem>>) target_semaphore(%arg16 : memref<!tpu.dma_semaphore, #tpu.memory_space<semaphore_mem>>)
    } else {
    }
    %add3A_25 = arith.constant 3670016 : i32
    %add3A_26 = arith.addi %add3A_25, %mul3A_2 : i32
    %mul3A_27 = arith.constant 8192 : i32
    %mul3A_28 = arith.muli %add3A_20, %mul3A_27 : i32
    %add3A_29 = arith.addi %add3A_26, %mul3A_28 : i32
    %dma_wait3A = arith.constant 0 : i32
    %dma_wait3A_30 = tpu.memref_slice %arg2[%dma_wait3A, %add3A_29] : memref<4x4194304xf32, #tpu.memory_space<hbm>> -> memref<4x8192xf32, #tpu.memory_space<hbm>>
    %dma_wait3A_31 = arith.constant 0 : i32
    %dma_wait3A_32 = tpu.memref_slice %arg2[%dma_wait3A_31, %add3A_29] : memref<4x4194304xf32, #tpu.memory_space<hbm>> -> memref<4x8192xf32, #tpu.memory_space<hbm>>
    tpu.wait_dma2 semaphore(%arg15 : memref<!tpu.dma_semaphore, #tpu.memory_space<semaphore_mem>>) src(%dma_wait3A_32 : memref<4x8192xf32, #tpu.memory_space<hbm>>) dst(%arg7 : memref<4x8192xf32, #tpu.memory_space<vmem>>)
    %dma_wait3A_33 = tpu.memref_slice %arg3[%add3A_29] : memref<4194304xi32, #tpu.memory_space<hbm>> -> memref<8192xi32, #tpu.memory_space<hbm>>
    %dma_wait3A_34 = tpu.memref_slice %arg3[%add3A_29] : memref<4194304xi32, #tpu.memory_space<hbm>> -> memref<8192xi32, #tpu.memory_space<hbm>>
    tpu.wait_dma2 semaphore(%arg15 : memref<!tpu.dma_semaphore, #tpu.memory_space<semaphore_mem>>) src(%dma_wait3A_34 : memref<8192xi32, #tpu.memory_space<hbm>>) dst(%arg8 : memref<8192xi32, #tpu.memory_space<vmem>>)
    %dma_wait3A_35 = tpu.memref_slice %arg4[%add3A_29] : memref<4194304xi32, #tpu.memory_space<hbm>> -> memref<8192xi32, #tpu.memory_space<hbm>>
    %dma_wait3A_36 = tpu.memref_slice %arg4[%add3A_29] : memref<4194304xi32, #tpu.memory_space<hbm>> -> memref<8192xi32, #tpu.memory_space<hbm>>
    tpu.wait_dma2 semaphore(%arg15 : memref<!tpu.dma_semaphore, #tpu.memory_space<semaphore_mem>>) src(%dma_wait3A_36 : memref<8192xi32, #tpu.memory_space<hbm>>) dst(%arg9 : memref<8192xi32, #tpu.memory_space<vmem>>)
    %dma_wait3A_37 = tpu.memref_slice %arg5[%add3A_29] : memref<4194304xf32, #tpu.memory_space<hbm>> -> memref<8192xf32, #tpu.memory_space<hbm>>
    %dma_wait3A_38 = tpu.memref_slice %arg5[%add3A_29] : memref<4194304xf32, #tpu.memory_space<hbm>> -> memref<8192xf32, #tpu.memory_space<hbm>>
    tpu.wait_dma2 semaphore(%arg15 : memref<!tpu.dma_semaphore, #tpu.memory_space<semaphore_mem>>) src(%dma_wait3A_38 : memref<8192xf32, #tpu.memory_space<hbm>>) dst(%arg10 : memref<8192xf32, #tpu.memory_space<vmem>>)
    %iota3A = tpu.iota {dimensions = array<i32: 0>} : vector<16xi32>
    %parallel_loop3A = arith.constant 0 : i32
    %parallel_loop3A_39 = arith.constant 512 : i32
    %parallel_loop3A_40 = arith.constant 1 : i32
    scf.for %parallel_loop3A_106 = %parallel_loop3A to %parallel_loop3A_39 step %parallel_loop3A_40  : i32 {
      %parallel_loop3A_107 = arith.constant 16 : i32
      %parallel_loop3A_108 = arith.muli %parallel_loop3A_106, %parallel_loop3A_107 : i32
      %parallel_loop3A_109 = arith.index_cast %parallel_loop3A_108 : i32 to index
      %parallel_loop3A_110 = tpu.vector_load %arg8[%parallel_loop3A_109] {strides = array<i32>} : memref<8192xi32, #tpu.memory_space<vmem>>, vector<16xi32>,
      %parallel_loop3A_111 = arith.index_cast %parallel_loop3A_108 : i32 to index
      %parallel_loop3A_112 = tpu.vector_load %arg9[%parallel_loop3A_111] {strides = array<i32>} : memref<8192xi32, #tpu.memory_space<vmem>>, vector<16xi32>,
      %parallel_loop3A_113 = arith.index_cast %parallel_loop3A_108 : i32 to index
      %parallel_loop3A_114 = tpu.vector_load %arg10[%parallel_loop3A_113] {strides = array<i32>} : memref<8192xf32, #tpu.memory_space<vmem>>, vector<16xf32>,
      %parallel_loop3A_115 = arith.constant 16 : i32
      %parallel_loop3A_116 = arith.muli %parallel_loop3A_106, %parallel_loop3A_115 : i32
      %parallel_loop3A_117 = vector.broadcast %parallel_loop3A_116 : i32 to vector<16xi32>
      %parallel_loop3A_118 = arith.addi %parallel_loop3A_117, %iota3A : vector<16xi32>
      %parallel_loop3A_119 = arith.addi %parallel_loop3A_112, %parallel_loop3A_112 : vector<16xi32>
      %parallel_loop3A_120 = arith.addi %parallel_loop3A_110, %parallel_loop3A_110 : vector<16xi32>
      %parallel_loop3A_121 = arith.addi %parallel_loop3A_120, %parallel_loop3A_112 : vector<16xi32>
      %parallel_loop3A_122 = tpu.vector_load_idx %arg7[%parallel_loop3A_119, %parallel_loop3A_118] : memref<4x8192xf32, #tpu.memory_space<vmem>>[vector<16xi32>, vector<16xi32>], vector<16xf32>,
      %parallel_loop3A_123 = arith.constant 1 : i32
      %parallel_loop3A_124 = vector.broadcast %parallel_loop3A_123 : i32 to vector<16xi32>
      %parallel_loop3A_125 = arith.addi %parallel_loop3A_119, %parallel_loop3A_124 : vector<16xi32>
      %parallel_loop3A_126 = tpu.vector_load_idx %arg7[%parallel_loop3A_125, %parallel_loop3A_118] : memref<4x8192xf32, #tpu.memory_space<vmem>>[vector<16xi32>, vector<16xi32>], vector<16xf32>,
      %parallel_loop3A_127 = tpu.vector_load_idx %arg7[%parallel_loop3A_121, %parallel_loop3A_118] : memref<4x8192xf32, #tpu.memory_space<vmem>>[vector<16xi32>, vector<16xi32>], vector<16xf32>,
      %parallel_loop3A_128 = arith.maximumf %parallel_loop3A_122, %parallel_loop3A_126 : vector<16xf32>
      %parallel_loop3A_129 = arith.constant 8.000000e-01 : f32
      %parallel_loop3A_130 = vector.broadcast %parallel_loop3A_129 : f32 to vector<16xf32>
      %parallel_loop3A_131 = arith.mulf %parallel_loop3A_130, %parallel_loop3A_128 : vector<16xf32>
      %parallel_loop3A_132 = arith.addf %parallel_loop3A_114, %parallel_loop3A_131 : vector<16xf32>
      %parallel_loop3A_133 = arith.subf %parallel_loop3A_132, %parallel_loop3A_127 : vector<16xf32>
      %parallel_loop3A_134 = arith.constant 8.000000e-01 : f32
      %parallel_loop3A_135 = vector.broadcast %parallel_loop3A_134 : f32 to vector<16xf32>
      %parallel_loop3A_136 = arith.mulf %parallel_loop3A_135, %parallel_loop3A_133 : vector<16xf32>
      %parallel_loop3A_137 = arith.addf %parallel_loop3A_127, %parallel_loop3A_136 : vector<16xf32>
      tpu.vector_store_idx %arg7[%parallel_loop3A_121, %parallel_loop3A_118], %parallel_loop3A_137 : memref<4x8192xf32, #tpu.memory_space<vmem>>[vector<16xi32>, vector<16xi32>], vector<16xf32>,
    } {sc.loop_unroll_factor = 4 : i64, sc.parallel_access}
    %add3A_41 = arith.constant 3670016 : i32
    %add3A_42 = arith.addi %add3A_41, %mul3A_2 : i32
    %mul3A_43 = arith.constant 8192 : i32
    %mul3A_44 = arith.muli %add3A_20, %mul3A_43 : i32
    %add3A_45 = arith.addi %add3A_42, %mul3A_44 : i32
    %dma_start3A_46 = arith.constant 0 : i32
    %dma_start3A_47 = tpu.memref_slice %arg6[%dma_start3A_46, %add3A_45] : memref<4x4194304xf32, #tpu.memory_space<hbm>> -> memref<4x8192xf32, #tpu.memory_space<hbm>>
    %dma_start3A_48 = arith.constant 0 : i32
    %dma_start3A_49 = tpu.memref_slice %arg6[%dma_start3A_48, %add3A_45] : memref<4x4194304xf32, #tpu.memory_space<hbm>> -> memref<4x8192xf32, #tpu.memory_space<hbm>>
    tpu.enqueue_dma source(%arg7 : memref<4x8192xf32, #tpu.memory_space<vmem>>) target(%dma_start3A_49 : memref<4x8192xf32, #tpu.memory_space<hbm>>) target_semaphore(%arg17 : memref<!tpu.dma_semaphore, #tpu.memory_space<semaphore_mem>>)
    %mul3A_50 = arith.constant 2 : i32
    %mul3A_51 = arith.muli %mul3A_50, %scan3A_16 : i32
    %add3A_52 = arith.constant 1 : i32
    %add3A_53 = arith.addi %mul3A_51, %add3A_52 : i32
    %add3A_54 = arith.constant 1 : i32
    %add3A_55 = arith.addi %add3A_53, %add3A_54 : i32
    %lt3A_56 = arith.constant 2 : i32
    %lt3A_57 = arith.cmpi slt, %add3A_55, %lt3A_56 : i32
    %convert_element_type3A_58 = arith.extui %lt3A_57 : i1 to i32
    %cond3A_59 = arith.constant 0 : i32
    %cond3A_60 = arith.cmpi ne, %convert_element_type3A_58, %cond3A_59 : i32
    scf.if %cond3A_60 {
      %ge3A = arith.constant 2 : i32
      %ge3A_106 = arith.cmpi sge, %add3A_55, %ge3A : i32
      %convert_element_type3A_107 = arith.extui %ge3A_106 : i1 to i32
      %cond3A_108 = arith.constant 0 : i32
      %cond3A_109 = arith.cmpi ne, %convert_element_type3A_107, %cond3A_108 : i32
      scf.if %cond3A_109 {
        %sub3A = arith.constant 2 : i32
        %sub3A_125 = arith.subi %add3A_55, %sub3A : i32
        %add3A_126 = arith.constant 3670016 : i32
        %add3A_127 = arith.addi %add3A_126, %mul3A_2 : i32
        %mul3A_128 = arith.constant 8192 : i32
        %mul3A_129 = arith.muli %sub3A_125, %mul3A_128 : i32
        %add3A_130 = arith.addi %add3A_127, %mul3A_129 : i32
        %dma_wait3A_131 = arith.constant 0 : i32
        %dma_wait3A_132 = tpu.memref_slice %arg6[%dma_wait3A_131, %add3A_130] : memref<4x4194304xf32, #tpu.memory_space<hbm>> -> memref<4x8192xf32, #tpu.memory_space<hbm>>
        %dma_wait3A_133 = arith.constant 0 : i32
        %dma_wait3A_134 = tpu.memref_slice %arg6[%dma_wait3A_133, %add3A_130] : memref<4x4194304xf32, #tpu.memory_space<hbm>> -> memref<4x8192xf32, #tpu.memory_space<hbm>>
        tpu.wait_dma2 semaphore(%arg17 : memref<!tpu.dma_semaphore, #tpu.memory_space<semaphore_mem>>) src(%arg7 : memref<4x8192xf32, #tpu.memory_space<vmem>>) dst(%dma_wait3A_134 : memref<4x8192xf32, #tpu.memory_space<hbm>>)
      } else {
      }
      %add3A_110 = arith.constant 3670016 : i32
      %add3A_111 = arith.addi %add3A_110, %mul3A_2 : i32
      %mul3A_112 = arith.constant 8192 : i32
      %mul3A_113 = arith.muli %add3A_55, %mul3A_112 : i32
      %add3A_114 = arith.addi %add3A_111, %mul3A_113 : i32
      %dma_start3A_115 = arith.constant 0 : i32
      %dma_start3A_116 = tpu.memref_slice %arg2[%dma_start3A_115, %add3A_114] : memref<4x4194304xf32, #tpu.memory_space<hbm>> -> memref<4x8192xf32, #tpu.memory_space<hbm>>
      %dma_start3A_117 = arith.constant 0 : i32
      %dma_start3A_118 = tpu.memref_slice %arg2[%dma_start3A_117, %add3A_114] : memref<4x4194304xf32, #tpu.memory_space<hbm>> -> memref<4x8192xf32, #tpu.memory_space<hbm>>
      tpu.enqueue_dma source(%dma_start3A_118 : memref<4x8192xf32, #tpu.memory_space<hbm>>) target(%arg7 : memref<4x8192xf32, #tpu.memory_space<vmem>>) target_semaphore(%arg15 : memref<!tpu.dma_semaphore, #tpu.memory_space<semaphore_mem>>)
      %dma_start3A_119 = tpu.memref_slice %arg3[%add3A_114] : memref<4194304xi32, #tpu.memory_space<hbm>> -> memref<8192xi32, #tpu.memory_space<hbm>>
      %dma_start3A_120 = tpu.memref_slice %arg3[%add3A_114] : memref<4194304xi32, #tpu.memory_space<hbm>> -> memref<8192xi32, #tpu.memory_space<hbm>>
      tpu.enqueue_dma source(%dma_start3A_120 : memref<8192xi32, #tpu.memory_space<hbm>>) target(%arg8 : memref<8192xi32, #tpu.memory_space<vmem>>) target_semaphore(%arg15 : memref<!tpu.dma_semaphore, #tpu.memory_space<semaphore_mem>>)
      %dma_start3A_121 = tpu.memref_slice %arg4[%add3A_114] : memref<4194304xi32, #tpu.memory_space<hbm>> -> memref<8192xi32, #tpu.memory_space<hbm>>
      %dma_start3A_122 = tpu.memref_slice %arg4[%add3A_114] : memref<4194304xi32, #tpu.memory_space<hbm>> -> memref<8192xi32, #tpu.memory_space<hbm>>
      tpu.enqueue_dma source(%dma_start3A_122 : memref<8192xi32, #tpu.memory_space<hbm>>) target(%arg9 : memref<8192xi32, #tpu.memory_space<vmem>>) target_semaphore(%arg15 : memref<!tpu.dma_semaphore, #tpu.memory_space<semaphore_mem>>)
      %dma_start3A_123 = tpu.memref_slice %arg5[%add3A_114] : memref<4194304xf32, #tpu.memory_space<hbm>> -> memref<8192xf32, #tpu.memory_space<hbm>>
      %dma_start3A_124 = tpu.memref_slice %arg5[%add3A_114] : memref<4194304xf32, #tpu.memory_space<hbm>> -> memref<8192xf32, #tpu.memory_space<hbm>>
      tpu.enqueue_dma source(%dma_start3A_124 : memref<8192xf32, #tpu.memory_space<hbm>>) target(%arg10 : memref<8192xf32, #tpu.memory_space<vmem>>) target_semaphore(%arg15 : memref<!tpu.dma_semaphore, #tpu.memory_space<semaphore_mem>>)
    } else {
    }
    %add3A_61 = arith.constant 3670016 : i32
    %add3A_62 = arith.addi %add3A_61, %mul3A_2 : i32
    %mul3A_63 = arith.constant 8192 : i32
    %mul3A_64 = arith.muli %add3A_53, %mul3A_63 : i32
    %add3A_65 = arith.addi %add3A_62, %mul3A_64 : i32
    %dma_wait3A_66 = arith.constant 0 : i32
    %dma_wait3A_67 = tpu.memref_slice %arg2[%dma_wait3A_66, %add3A_65] : memref<4x4194304xf32, #tpu.memory_space<hbm>> -> memref<4x8192xf32, #tpu.memory_space<hbm>>
    %dma_wait3A_68 = arith.constant 0 : i32
    %dma_wait3A_69 = tpu.memref_slice %arg2[%dma_wait3A_68, %add3A_65] : memref<4x4194304xf32, #tpu.memory_space<hbm>> -> memref<4x8192xf32, #tpu.memory_space<hbm>>
    tpu.wait_dma2 semaphore(%arg16 : memref<!tpu.dma_semaphore, #tpu.memory_space<semaphore_mem>>) src(%dma_wait3A_69 : memref<4x8192xf32, #tpu.memory_space<hbm>>) dst(%arg11 : memref<4x8192xf32, #tpu.memory_space<vmem>>)
    %dma_wait3A_70 = tpu.memref_slice %arg3[%add3A_65] : memref<4194304xi32, #tpu.memory_space<hbm>> -> memref<8192xi32, #tpu.memory_space<hbm>>
    %dma_wait3A_71 = tpu.memref_slice %arg3[%add3A_65] : memref<4194304xi32, #tpu.memory_space<hbm>> -> memref<8192xi32, #tpu.memory_space<hbm>>
    tpu.wait_dma2 semaphore(%arg16 : memref<!tpu.dma_semaphore, #tpu.memory_space<semaphore_mem>>) src(%dma_wait3A_71 : memref<8192xi32, #tpu.memory_space<hbm>>) dst(%arg12 : memref<8192xi32, #tpu.memory_space<vmem>>)
    %dma_wait3A_72 = tpu.memref_slice %arg4[%add3A_65] : memref<4194304xi32, #tpu.memory_space<hbm>> -> memref<8192xi32, #tpu.memory_space<hbm>>
    %dma_wait3A_73 = tpu.memref_slice %arg4[%add3A_65] : memref<4194304xi32, #tpu.memory_space<hbm>> -> memref<8192xi32, #tpu.memory_space<hbm>>
    tpu.wait_dma2 semaphore(%arg16 : memref<!tpu.dma_semaphore, #tpu.memory_space<semaphore_mem>>) src(%dma_wait3A_73 : memref<8192xi32, #tpu.memory_space<hbm>>) dst(%arg13 : memref<8192xi32, #tpu.memory_space<vmem>>)
    %dma_wait3A_74 = tpu.memref_slice %arg5[%add3A_65] : memref<4194304xf32, #tpu.memory_space<hbm>> -> memref<8192xf32, #tpu.memory_space<hbm>>
    %dma_wait3A_75 = tpu.memref_slice %arg5[%add3A_65] : memref<4194304xf32, #tpu.memory_space<hbm>> -> memref<8192xf32, #tpu.memory_space<hbm>>
    tpu.wait_dma2 semaphore(%arg16 : memref<!tpu.dma_semaphore, #tpu.memory_space<semaphore_mem>>) src(%dma_wait3A_75 : memref<8192xf32, #tpu.memory_space<hbm>>) dst(%arg14 : memref<8192xf32, #tpu.memory_space<vmem>>)
    %iota3A_76 = tpu.iota {dimensions = array<i32: 0>} : vector<16xi32>
    %parallel_loop3A_77 = arith.constant 0 : i32
    %parallel_loop3A_78 = arith.constant 512 : i32
    %parallel_loop3A_79 = arith.constant 1 : i32
    scf.for %parallel_loop3A_106 = %parallel_loop3A_77 to %parallel_loop3A_78 step %parallel_loop3A_79  : i32 {
      %parallel_loop3A_107 = arith.constant 16 : i32
      %parallel_loop3A_108 = arith.muli %parallel_loop3A_106, %parallel_loop3A_107 : i32
      %parallel_loop3A_109 = arith.index_cast %parallel_loop3A_108 : i32 to index
      %parallel_loop3A_110 = tpu.vector_load %arg12[%parallel_loop3A_109] {strides = array<i32>} : memref<8192xi32, #tpu.memory_space<vmem>>, vector<16xi32>,
      %parallel_loop3A_111 = arith.index_cast %parallel_loop3A_108 : i32 to index
      %parallel_loop3A_112 = tpu.vector_load %arg13[%parallel_loop3A_111] {strides = array<i32>} : memref<8192xi32, #tpu.memory_space<vmem>>, vector<16xi32>,
      %parallel_loop3A_113 = arith.index_cast %parallel_loop3A_108 : i32 to index
      %parallel_loop3A_114 = tpu.vector_load %arg14[%parallel_loop3A_113] {strides = array<i32>} : memref<8192xf32, #tpu.memory_space<vmem>>, vector<16xf32>,
      %parallel_loop3A_115 = arith.constant 16 : i32
      %parallel_loop3A_116 = arith.muli %parallel_loop3A_106, %parallel_loop3A_115 : i32
      %parallel_loop3A_117 = vector.broadcast %parallel_loop3A_116 : i32 to vector<16xi32>
      %parallel_loop3A_118 = arith.addi %parallel_loop3A_117, %iota3A_76 : vector<16xi32>
      %parallel_loop3A_119 = arith.addi %parallel_loop3A_112, %parallel_loop3A_112 : vector<16xi32>
      %parallel_loop3A_120 = arith.addi %parallel_loop3A_110, %parallel_loop3A_110 : vector<16xi32>
      %parallel_loop3A_121 = arith.addi %parallel_loop3A_120, %parallel_loop3A_112 : vector<16xi32>
      %parallel_loop3A_122 = tpu.vector_load_idx %arg11[%parallel_loop3A_119, %parallel_loop3A_118] : memref<4x8192xf32, #tpu.memory_space<vmem>>[vector<16xi32>, vector<16xi32>], vector<16xf32>,
      %parallel_loop3A_123 = arith.constant 1 : i32
      %parallel_loop3A_124 = vector.broadcast %parallel_loop3A_123 : i32 to vector<16xi32>
      %parallel_loop3A_125 = arith.addi %parallel_loop3A_119, %parallel_loop3A_124 : vector<16xi32>
      %parallel_loop3A_126 = tpu.vector_load_idx %arg11[%parallel_loop3A_125, %parallel_loop3A_118] : memref<4x8192xf32, #tpu.memory_space<vmem>>[vector<16xi32>, vector<16xi32>], vector<16xf32>,
      %parallel_loop3A_127 = tpu.vector_load_idx %arg11[%parallel_loop3A_121, %parallel_loop3A_118] : memref<4x8192xf32, #tpu.memory_space<vmem>>[vector<16xi32>, vector<16xi32>], vector<16xf32>,
      %parallel_loop3A_128 = arith.maximumf %parallel_loop3A_122, %parallel_loop3A_126 : vector<16xf32>
      %parallel_loop3A_129 = arith.constant 8.000000e-01 : f32
      %parallel_loop3A_130 = vector.broadcast %parallel_loop3A_129 : f32 to vector<16xf32>
      %parallel_loop3A_131 = arith.mulf %parallel_loop3A_130, %parallel_loop3A_128 : vector<16xf32>
      %parallel_loop3A_132 = arith.addf %parallel_loop3A_114, %parallel_loop3A_131 : vector<16xf32>
      %parallel_loop3A_133 = arith.subf %parallel_loop3A_132, %parallel_loop3A_127 : vector<16xf32>
      %parallel_loop3A_134 = arith.constant 8.000000e-01 : f32
      %parallel_loop3A_135 = vector.broadcast %parallel_loop3A_134 : f32 to vector<16xf32>
      %parallel_loop3A_136 = arith.mulf %parallel_loop3A_135, %parallel_loop3A_133 : vector<16xf32>
      %parallel_loop3A_137 = arith.addf %parallel_loop3A_127, %parallel_loop3A_136 : vector<16xf32>
      tpu.vector_store_idx %arg11[%parallel_loop3A_121, %parallel_loop3A_118], %parallel_loop3A_137 : memref<4x8192xf32, #tpu.memory_space<vmem>>[vector<16xi32>, vector<16xi32>], vector<16xf32>,
    } {sc.loop_unroll_factor = 4 : i64, sc.parallel_access}
    %add3A_80 = arith.constant 3670016 : i32
    %add3A_81 = arith.addi %add3A_80, %mul3A_2 : i32
    %mul3A_82 = arith.constant 8192 : i32
    %mul3A_83 = arith.muli %add3A_53, %mul3A_82 : i32
    %add3A_84 = arith.addi %add3A_81, %mul3A_83 : i32
    %dma_start3A_85 = arith.constant 0 : i32
    %dma_start3A_86 = tpu.memref_slice %arg6[%dma_start3A_85, %add3A_84] : memref<4x4194304xf32, #tpu.memory_space<hbm>> -> memref<4x8192xf32, #tpu.memory_space<hbm>>
    %dma_start3A_87 = arith.constant 0 : i32
    %dma_start3A_88 = tpu.memref_slice %arg6[%dma_start3A_87, %add3A_84] : memref<4x4194304xf32, #tpu.memory_space<hbm>> -> memref<4x8192xf32, #tpu.memory_space<hbm>>
    tpu.enqueue_dma source(%arg11 : memref<4x8192xf32, #tpu.memory_space<vmem>>) target(%dma_start3A_88 : memref<4x8192xf32, #tpu.memory_space<hbm>>) target_semaphore(%arg18 : memref<!tpu.dma_semaphore, #tpu.memory_space<semaphore_mem>>)
    %scan3A_89 = arith.constant 1 : i32
    %add3A_90 = arith.constant 3670016 : i32
    %add3A_91 = arith.addi %add3A_90, %mul3A_2 : i32
    %add3A_92 = arith.constant 0 : i32
    %add3A_93 = arith.addi %add3A_91, %add3A_92 : i32
    %dma_wait3A_94 = arith.constant 0 : i32
    %dma_wait3A_95 = tpu.memref_slice %arg6[%dma_wait3A_94, %add3A_93] : memref<4x4194304xf32, #tpu.memory_space<hbm>> -> memref<4x8192xf32, #tpu.memory_space<hbm>>
    %dma_wait3A_96 = arith.constant 0 : i32
    %dma_wait3A_97 = tpu.memref_slice %arg6[%dma_wait3A_96, %add3A_93] : memref<4x4194304xf32, #tpu.memory_space<hbm>> -> memref<4x8192xf32, #tpu.memory_space<hbm>>
    tpu.wait_dma2 semaphore(%arg17 : memref<!tpu.dma_semaphore, #tpu.memory_space<semaphore_mem>>) src(%arg7 : memref<4x8192xf32, #tpu.memory_space<vmem>>) dst(%dma_wait3A_97 : memref<4x8192xf32, #tpu.memory_space<hbm>>)
    %add3A_98 = arith.constant 3670016 : i32
    %add3A_99 = arith.addi %add3A_98, %mul3A_2 : i32
    %add3A_100 = arith.constant 8192 : i32
    %add3A_101 = arith.addi %add3A_99, %add3A_100 : i32
    %dma_wait3A_102 = arith.constant 0 : i32
    %dma_wait3A_103 = tpu.memref_slice %arg6[%dma_wait3A_102, %add3A_101] : memref<4x4194304xf32, #tpu.memory_space<hbm>> -> memref<4x8192xf32, #tpu.memory_space<hbm>>
    %dma_wait3A_104 = arith.constant 0 : i32
    %dma_wait3A_105 = tpu.memref_slice %arg6[%dma_wait3A_104, %add3A_101] : memref<4x4194304xf32, #tpu.memory_space<hbm>> -> memref<4x8192xf32, #tpu.memory_space<hbm>>
    tpu.wait_dma2 semaphore(%arg18 : memref<!tpu.dma_semaphore, #tpu.memory_space<semaphore_mem>>) src(%arg11 : memref<4x8192xf32, #tpu.memory_space<vmem>>) dst(%dma_wait3A_105 : memref<4x8192xf32, #tpu.memory_space<hbm>>)
    return
  }
}

module attributes {stable_mosaic.version = 14 : i64} {
  func.func @_tc_kernel(%arg0: i32, %arg1: memref<2x2x131072xf32, #tpu.memory_space<vmem>>, %arg2: memref<131072xi32, #tpu.memory_space<vmem>>, %arg3: memref<131072xi32, #tpu.memory_space<vmem>>, %arg4: memref<131072xf32, #tpu.memory_space<vmem>>, %arg5: memref<2x2x131072xf32, #tpu.memory_space<vmem>>) attributes {dimension_semantics = [#tpu.dimension_semantics<arbitrary>], iteration_bounds = array<i64: 28>, scalar_prefetch = 0 : i64, scratch_operands = 0 : i64, tpu.core_type = #tpu.core_type<tc>, window_params = [{transform_indices = @transform_0, window_bounds = array<i64: 2, 2, 131072>}, {transform_indices = @transform_1, window_bounds = array<i64: 131072>}, {transform_indices = @transform_2, window_bounds = array<i64: 131072>}, {transform_indices = @transform_3, window_bounds = array<i64: 131072>}, {transform_indices = @transform_4, window_bounds = array<i64: 2, 2, 131072>}]} {
    %get3A = arith.constant 0 : index
    %get3A_0 = arith.constant 0 : index
    %get3A_1 = arith.constant 0 : index
    %get3A_2 = vector.load %arg1[%get3A, %get3A_0, %get3A_1] : memref<2x2x131072xf32, #tpu.memory_space<vmem>>, vector<1x1x131072xf32>
    %get3A_3 = vector.shape_cast %get3A_2 : vector<1x1x131072xf32> to vector<131072xf32>
    %get3A_4 = arith.constant 0 : index
    %get3A_5 = arith.constant 1 : index
    %get3A_6 = arith.constant 0 : index
    %get3A_7 = vector.load %arg1[%get3A_4, %get3A_5, %get3A_6] : memref<2x2x131072xf32, #tpu.memory_space<vmem>>, vector<1x1x131072xf32>
    %get3A_8 = vector.shape_cast %get3A_7 : vector<1x1x131072xf32> to vector<131072xf32>
    %get3A_9 = arith.constant 1 : index
    %get3A_10 = arith.constant 0 : index
    %get3A_11 = arith.constant 0 : index
    %get3A_12 = vector.load %arg1[%get3A_9, %get3A_10, %get3A_11] : memref<2x2x131072xf32, #tpu.memory_space<vmem>>, vector<1x1x131072xf32>
    %get3A_13 = vector.shape_cast %get3A_12 : vector<1x1x131072xf32> to vector<131072xf32>
    %get3A_14 = arith.constant 1 : index
    %get3A_15 = arith.constant 1 : index
    %get3A_16 = arith.constant 0 : index
    %get3A_17 = vector.load %arg1[%get3A_14, %get3A_15, %get3A_16] : memref<2x2x131072xf32, #tpu.memory_space<vmem>>, vector<1x1x131072xf32>
    %get3A_18 = vector.shape_cast %get3A_17 : vector<1x1x131072xf32> to vector<131072xf32>
    %get3A_19 = arith.constant 0 : index
    %get3A_20 = vector.load %arg2[%get3A_19] : memref<131072xi32, #tpu.memory_space<vmem>>, vector<131072xi32>
    %get3A_21 = arith.constant 0 : index
    %get3A_22 = vector.load %arg3[%get3A_21] : memref<131072xi32, #tpu.memory_space<vmem>>, vector<131072xi32>
    %get3A_23 = arith.constant 0 : index
    %get3A_24 = vector.load %arg4[%get3A_23] : memref<131072xf32, #tpu.memory_space<vmem>>, vector<131072xf32>
    %eq3A = arith.constant 0 : i32
    %eq3A_25 = vector.broadcast %eq3A : i32 to vector<131072xi32>
    %eq3A_26 = arith.cmpi eq, %get3A_22, %eq3A_25 : vector<131072xi32>
    %max3A = arith.maximumf %get3A_3, %get3A_8 : vector<131072xf32>
    %max3A_27 = arith.maximumf %get3A_13, %get3A_18 : vector<131072xf32>
    %select_n3A = arith.select %eq3A_26, %max3A, %max3A_27 : vector<131072xi1>, vector<131072xf32>
    %eq3A_28 = arith.constant 0 : i32
    %eq3A_29 = vector.broadcast %eq3A_28 : i32 to vector<131072xi32>
    %eq3A_30 = arith.cmpi eq, %get3A_20, %eq3A_29 : vector<131072xi32>
    %select_n3A_31 = arith.select %eq3A_26, %get3A_3, %get3A_8 : vector<131072xi1>, vector<131072xf32>
    %select_n3A_32 = arith.select %eq3A_26, %get3A_13, %get3A_18 : vector<131072xi1>, vector<131072xf32>
    %select_n3A_33 = arith.select %eq3A_30, %select_n3A_31, %select_n3A_32 : vector<131072xi1>, vector<131072xf32>
    %mul3A = arith.constant 8.000000e-01 : f32
    %mul3A_34 = vector.broadcast %mul3A : f32 to vector<131072xf32>
    %mul3A_35 = arith.mulf %mul3A_34, %select_n3A : vector<131072xf32>
    %add3A = arith.addf %get3A_24, %mul3A_35 : vector<131072xf32>
    %sub3A = arith.subf %add3A, %select_n3A_33 : vector<131072xf32>
    %mul3A_36 = arith.constant 8.000000e-01 : f32
    %mul3A_37 = vector.broadcast %mul3A_36 : f32 to vector<131072xf32>
    %mul3A_38 = arith.mulf %mul3A_37, %sub3A : vector<131072xf32>
    %add3A_39 = arith.addf %select_n3A_33, %mul3A_38 : vector<131072xf32>
    %eq3A_40 = arith.constant 0 : i32
    %eq3A_41 = vector.broadcast %eq3A_40 : i32 to vector<131072xi32>
    %eq3A_42 = arith.cmpi eq, %get3A_20, %eq3A_41 : vector<131072xi32>
    %and3A = arith.andi %eq3A_42, %eq3A_26 : vector<131072xi1>
    %select_n3A_43 = arith.select %and3A, %add3A_39, %get3A_3 : vector<131072xi1>, vector<131072xf32>
    %swap3A = arith.constant 0 : index
    %swap3A_44 = arith.constant 0 : index
    %swap3A_45 = arith.constant 0 : index
    %swap3A_46 = vector.load %arg5[%swap3A, %swap3A_44, %swap3A_45] : memref<2x2x131072xf32, #tpu.memory_space<vmem>>, vector<1x1x131072xf32>
    %swap3A_47 = vector.shape_cast %swap3A_46 : vector<1x1x131072xf32> to vector<131072xf32>
    %swap3A_48 = vector.shape_cast %select_n3A_43 : vector<131072xf32> to vector<1x1x131072xf32>
    tpu.vector_store %arg5[%swap3A, %swap3A_44, %swap3A_45], %swap3A_48 {strides = array<i32>} : memref<2x2x131072xf32, #tpu.memory_space<vmem>>, vector<1x1x131072xf32>,
    %not3A = arith.constant dense<true> : vector<131072xi1>
    %not3A_49 = arith.xori %eq3A_26, %not3A : vector<131072xi1>
    %and3A_50 = arith.andi %eq3A_42, %not3A_49 : vector<131072xi1>
    %select_n3A_51 = arith.select %and3A_50, %add3A_39, %get3A_8 : vector<131072xi1>, vector<131072xf32>
    %swap3A_52 = arith.constant 0 : index
    %swap3A_53 = arith.constant 1 : index
    %swap3A_54 = arith.constant 0 : index
    %swap3A_55 = vector.load %arg5[%swap3A_52, %swap3A_53, %swap3A_54] : memref<2x2x131072xf32, #tpu.memory_space<vmem>>, vector<1x1x131072xf32>
    %swap3A_56 = vector.shape_cast %swap3A_55 : vector<1x1x131072xf32> to vector<131072xf32>
    %swap3A_57 = vector.shape_cast %select_n3A_51 : vector<131072xf32> to vector<1x1x131072xf32>
    tpu.vector_store %arg5[%swap3A_52, %swap3A_53, %swap3A_54], %swap3A_57 {strides = array<i32>} : memref<2x2x131072xf32, #tpu.memory_space<vmem>>, vector<1x1x131072xf32>,
    %not3A_58 = arith.constant dense<true> : vector<131072xi1>
    %not3A_59 = arith.xori %eq3A_42, %not3A_58 : vector<131072xi1>
    %and3A_60 = arith.andi %not3A_59, %eq3A_26 : vector<131072xi1>
    %select_n3A_61 = arith.select %and3A_60, %add3A_39, %get3A_13 : vector<131072xi1>, vector<131072xf32>
    %swap3A_62 = arith.constant 1 : index
    %swap3A_63 = arith.constant 0 : index
    %swap3A_64 = arith.constant 0 : index
    %swap3A_65 = vector.load %arg5[%swap3A_62, %swap3A_63, %swap3A_64] : memref<2x2x131072xf32, #tpu.memory_space<vmem>>, vector<1x1x131072xf32>
    %swap3A_66 = vector.shape_cast %swap3A_65 : vector<1x1x131072xf32> to vector<131072xf32>
    %swap3A_67 = vector.shape_cast %select_n3A_61 : vector<131072xf32> to vector<1x1x131072xf32>
    tpu.vector_store %arg5[%swap3A_62, %swap3A_63, %swap3A_64], %swap3A_67 {strides = array<i32>} : memref<2x2x131072xf32, #tpu.memory_space<vmem>>, vector<1x1x131072xf32>,
    %not3A_68 = arith.constant dense<true> : vector<131072xi1>
    %not3A_69 = arith.xori %eq3A_42, %not3A_68 : vector<131072xi1>
    %not3A_70 = arith.constant dense<true> : vector<131072xi1>
    %not3A_71 = arith.xori %eq3A_26, %not3A_70 : vector<131072xi1>
    %and3A_72 = arith.andi %not3A_69, %not3A_71 : vector<131072xi1>
    %select_n3A_73 = arith.select %and3A_72, %add3A_39, %get3A_18 : vector<131072xi1>, vector<131072xf32>
    %swap3A_74 = arith.constant 1 : index
    %swap3A_75 = arith.constant 1 : index
    %swap3A_76 = arith.constant 0 : index
    %swap3A_77 = vector.load %arg5[%swap3A_74, %swap3A_75, %swap3A_76] : memref<2x2x131072xf32, #tpu.memory_space<vmem>>, vector<1x1x131072xf32>
    %swap3A_78 = vector.shape_cast %swap3A_77 : vector<1x1x131072xf32> to vector<131072xf32>
    %swap3A_79 = vector.shape_cast %select_n3A_73 : vector<131072xf32> to vector<1x1x131072xf32>
    tpu.vector_store %arg5[%swap3A_74, %swap3A_75, %swap3A_76], %swap3A_79 {strides = array<i32>} : memref<2x2x131072xf32, #tpu.memory_space<vmem>>, vector<1x1x131072xf32>,
    return
  }
  func.func @transform_0(%arg0: i32) -> (i32, i32, i32) {
    %c0_i32 = arith.constant 0 : i32
    %c0_i32_0 = arith.constant 0 : i32
    %c0_i32_1 = arith.constant 0 : i32
    return %c0_i32, %c0_i32_0, %arg0 : i32, i32, i32
  }
  func.func @transform_1(%arg0: i32) -> i32 {
    %c0_i32 = arith.constant 0 : i32
    return %arg0 : i32
  }
  func.func @transform_2(%arg0: i32) -> i32 {
    %c0_i32 = arith.constant 0 : i32
    return %arg0 : i32
  }
  func.func @transform_3(%arg0: i32) -> i32 {
    %c0_i32 = arith.constant 0 : i32
    return %arg0 : i32
  }
  func.func @transform_4(%arg0: i32) -> (i32, i32, i32) {
    %c0_i32 = arith.constant 0 : i32
    %c0_i32_0 = arith.constant 0 : i32
    %c0_i32_1 = arith.constant 0 : i32
    return %c0_i32, %c0_i32_0, %arg0 : i32, i32, i32
  }
}

</mosaic_0001>

<sc_bundles>
// kernel: kernel.4.cloned.1.call-start
scs
__scs_entry_jumppad:
0x0: {  	(pc) =	sbr.rel $0x88, $3  }
0x1: {  	(tag) =	ssettag $0x0;
	lr =	simm.s32 $0x1  }
0x2: {  	[smem:$0x3F9D] =	sst lr;
	_ =	strace $0xD0000000  }
0x3: {  	_ = 	snop  }
0x4: {  	_ = 	snop  }
0x5: {  	_ = 	snop  }
0x6: {  	_ = 	snop  }
0x7: {  	_ = 	snop  }
__scs_overlays_trampoline_lowered:
0x8: {  	[smem:$0x3FAC] =	sst s0  }
0x9: {  	[smem:$0x3FAD] =	sst s1  }
0xa: {  	[smem:$0x3FAE] =	sst s2  }
0xb: {  	[smem:$0x3FAF] =	sst s3  }
0xc: {  	[smem:$0x3FB0] =	sst s4  }
0xd: {  	[smem:$0x3FB1] =	sst s5  }
0xe: {  	[smem:$0x3FB2] =	sst s6  }
0xf: {  	[smem:$0x3FB3] =	sst s7  }
0x10: {  	[smem:$0x3FB4] =	sst s8  }
0x11: {  	[smem:$0x3FB5] =	sst s9;
	s0 =	simm.s32 @!p0 $0x0  }
0x12: {  	s1 =	sld [smem:$0x3F9B];
	s0 =	simm.s32 @p0 $0x1  }
0x13: {  	[smem:$0x3FB6] =	sst s0;
	s0 =	simm.s32 @!p1 $0x0  }
0x14: {  	s2 =	sld [smem:$0x3F9A];
	s0 =	simm.s32 @p1 $0x1  }
0x15: {  	[smem:$0x3FB7] =	sst s0;
	s0 =	simm.s32 @!p2 $0x0  }
0x16: {  	s3 =	sld [smem:$0x3FDB];
	s0 =	simm.s32 @p2 $0x1  }
0x17: {  	s4 =	simm.s32 $0x1BF5;
	[smem:$0x3FB9] =	sst s0  }
0x18: {  	s0 =	sld [smem:$0x3F9C];
	_ =	swait.ge [sflag:s4], $0x0  }
0x19: {  	s7 =	sld [smem:$0x3F9D]  }
0x1a: {  	s8 =	sadd.s32 $0xFFFFE003, lr  }
0x1b: {  	s9 =	sadd.s32 $0xFFFFFEF7, lr;
	s5 =	simm.s32 $0xFFFFFFFF;
	p2 =	slt.u32 s8, $0xFFFFF086  }
0x1c: {  	p1 =	slt.u32 s9, $0xF7A;
	s5 =	simm.s32 @!p2 $0x0  }
0x1d: {  	s5 =	simm.s32 @p1 $0x1;
	p0 =	seq.s32 s7, s2  }
0x1e: {  	s7 =	smul.u32 @!p0 $0xF7A, s2;
	p2 =	seq.s32 @!p0 s5, $0x0  }
0x1f: {  	s9 =	smul.u32 $0xF7A, s1;
	s8 =	simm.s32 @!p0 $0x1BF5;
	p2 =	por !p2, p0  }
0x20: {  	[sflag:s8] =	ssyncset.s32 @!p0 $0xFFFFF086;
	s6 =	sadd.s32 @!p0 s3, s7;
	s7 =	simm.s32 @!p0 $0x108  }
0x21: {  	s3 =	sadd.s32 s3, s9;
	s6 =	sadd.s32 @!p0 $0x88, s6;
	s7 =	simm.s32 @p2 $0x1082  }
0x22: {  	[simem:s7], [sflag:s8] =	dma.local @!p0 [hbm:s6], $0xF7A  }
0x23: {  	s9 =	sor.u32 $0xD0000000, s2;
	s6 =	simm.s32 $0x108;
	_ =	swait.ge @!p0 [sflag:s8], $0x0  }
0x24: {  	s3 =	sadd.s32 $0x88, s3;
	s6 =	simm.s32 @!p1 $0x1082;
	[sflag:s4] =	ssyncset.s32 $0xFFFFF086  }
0x25: {  	[simem:s6], [sflag:s4] =	dma.local [hbm:s3], $0xF7A  }
0x26: {  	[smem:$0x3F9D] =	sst s1;
	(tag) =	ssettag s2;
	_ =	strace s9  }
0x27: {  	s1 =	sld [smem:$0x3FAD]  }
0x28: {  	s2 =	sld [smem:$0x3FAE]  }
0x29: {  	s4 =	sld [smem:$0x3FB0]  }
0x2a: {  	p0 =	seq.s32 s5, $0x0;
	s5 =	sld [smem:$0x3FB1]  }
0x2b: {  	s6 =	sld [smem:$0x3FB2]  }
0x2c: {  	s7 =	sld [smem:$0x3FB3]  }
0x2d: {  	s3 =	simm.s32 $0x108;
	s8 =	sld [smem:$0x3FB4]  }
0x2e: {  	s3 =	simm.s32 @!p0 $0x1082;
	s9 =	sld [smem:$0x3FB5]  }
0x2f: {  	lr =	sadd.s32 s0, s3;
	s0 =	sld [smem:$0x3FAC]  }
0x30: {  	s3 =	sld [smem:$0x3FAF]  }
0x31: {  	[smem:$0x3FB8] =	sst s10  }
0x32: {  	s10 =	sld [smem:$0x3FB6];
	_ =	sdelay $0x3  }
0x33: {  	p0 =	seq.s32 s10, $0x1;
	s10 =	sld [smem:$0x3FB8];
	_ =	sdelay $0x3  }
0x34: {  	[smem:$0x3FB8] =	sst s10  }
0x35: {  	s10 =	sld [smem:$0x3FB7];
	_ =	sdelay $0x3  }
0x36: {  	p1 =	seq.s32 s10, $0x1;
	s10 =	sld [smem:$0x3FB8];
	_ =	sdelay $0x3  }
0x37: {  	[smem:$0x3FB8] =	sst s10  }
0x38: {  	s10 =	sld [smem:$0x3FB9]  }
0x39: {  	_ = 	snop;
	(pc) =	sbr.ind lr, $3  }
0x3a: {  	_ = 	snop  }
0x3b: {  	_ = 	snop  }
0x3c: {  	p2 =	seq.s32 s10, $0x1;
	s10 =	sld [smem:$0x3FB8]  }
0x3d: {  	_ =	shalt  }
0x3e: {  	_ =	shalt  }
0x3f: {  	_ =	shalt  }
0x40: {  	_ =	shalt  }
0x41: {  	_ =	shalt  }
0x42: {  	_ =	shalt  }
0x43: {  	_ =	shalt  }
0x44: {  	_ =	shalt  }
0x45: {  	_ =	shalt  }
0x46: {  	_ =	shalt  }
0x47: {  	_ =	shalt  }
0x48: {  	_ =	shalt  }
0x49: {  	_ =	shalt  }
0x4a: {  	_ =	shalt  }
0x4b: {  	_ =	shalt  }
0x4c: {  	_ =	shalt  }
0x4d: {  	_ =	shalt  }
0x4e: {  	_ =	shalt  }
0x4f: {  	_ =	shalt  }
0x50: {  	_ =	shalt  }
0x51: {  	_ =	shalt  }
0x52: {  	_ =	shalt  }
0x53: {  	_ =	shalt  }
0x54: {  	_ =	shalt  }
0x55: {  	_ =	shalt  }
0x56: {  	_ =	shalt  }
0x57: {  	_ =	shalt  }
0x58: {  	_ =	shalt  }
0x59: {  	_ =	shalt  }
0x5a: {  	_ =	shalt  }
0x5b: {  	_ =	shalt  }
0x5c: {  	_ =	shalt  }
0x5d: {  	_ =	shalt  }
0x5e: {  	_ =	shalt  }
0x5f: {  	_ =	shalt  }
0x60: {  	_ =	shalt  }
0x61: {  	_ =	shalt  }
0x62: {  	_ =	shalt  }
0x63: {  	_ =	shalt  }
0x64: {  	_ =	shalt  }
0x65: {  	_ =	shalt  }
0x66: {  	_ =	shalt  }
0x67: {  	_ =	shalt  }
0x68: {  	_ =	shalt  }
0x69: {  	_ =	shalt  }
0x6a: {  	_ =	shalt  }
0x6b: {  	_ =	shalt  }
0x6c: {  	_ =	shalt  }
0x6d: {  	_ =	shalt  }
0x6e: {  	_ =	shalt  }
0x6f: {  	_ =	shalt  }
0x70: {  	_ =	shalt  }
0x71: {  	_ =	shalt  }
0x72: {  	_ =	shalt  }
0x73: {  	_ =	shalt  }
0x74: {  	_ =	shalt  }
0x75: {  	_ =	shalt  }
0x76: {  	_ =	shalt  }
0x77: {  	_ =	shalt  }
0x78: {  	_ =	shalt  }
0x79: {  	_ =	shalt  }
0x7a: {  	_ =	shalt  }
0x7b: {  	_ =	shalt  }
0x7c: {  	_ =	shalt  }
0x7d: {  	_ =	shalt  }
0x7e: {  	_ =	shalt  }
0x7f: {  	_ =	shalt  }
0x80: {  	_ =	shalt  }
0x81: {  	_ =	shalt  }
0x82: {  	_ =	shalt  }
0x83: {  	_ =	shalt  }
0x84: {  	_ =	shalt  }
0x85: {  	_ =	shalt  }
0x86: {  	_ =	shalt  }
0x87: {  	_ =	shalt  }
.Lfunc_end0:
.L_simem_size_0:
called_computation_lowered:
.L_overlay_start_0:
0x88: {  	s2 =	sld [smem:$0x3FD9]  }
0x89: {  	s3 =	sld [smem:$0x3FFE];
	_ =	sdelay $0x1  }
0x8a: {  	s1 =	srdreg.scid  }
0x8b: {  	s0 =	sand.u32 $0x1, s1  }
0x8c: {  	s16 =	sshll.u32 s0, $0xA;
	s2 =	sadd.s32 s3, s2  }
0x8d: {  	s2 =	sadd.s32 s2, s16  }
0x8e: {  	[smem:$0x3FC4] =	sst s2  }
0x8f: {  	_ = 	snop  }
0x90: {  	(tm) =	ssettm $0x1  }
0x91: {  	s17 =	sld [smem:$0x3FFB];
	_ =	sdelay $0x3  }
0x92: {  	_ =	strace s17  }
0x93: {  	s2 =	sld [smem:$0x3FFC];
	_ =	sdelay $0x3  }
0x94: {  	_ =	strace s2  }
0x95: {  	s2 =	sld [smem:$0x3FFD];
	_ =	sdelay $0x3  }
0x96: {  	_ =	strace s2  }
0x97: {  	_ =	strace $0x8FFFFFFF  }
0x98: {  	s18 =	sld [smem:$0x3FDB];
	_ =	sdelay $0x1  }
0x99: {  	s19 =	simm.s32 $_scs_section_size  }
0x9a: {  	s4 =	simm.s32 $_size__tile_overlayer_lowered;
	s5 =	simm.s32 $_tile_overlayer_lowered  }
0x9b: {  	s22 =	simm.s32 $0x1BFF;
	s21 =	sshll.u32 s5, $0x1;
	s2 =	sadd.s32 s19, s18  }
0x9c: {  	s6 =	simm.s32 $0x0;
	s20 =	sshll.u32 s4, $0x1;
	s4 =	sadd.s32 s21, s2  }
0x9d: {  	[timem:s6], [sflag:s22] =	dma.local [hbm:s4], s20  }
0x9e: {  	_ =	swait.ge [sflag:s22], s20  }
0x9f: {  	s3 =	ssub.s32 $0x0, s20;
	[sflag:s22] =	ssyncset.done $0x0  }
0xa0: {  	[sflag:s22] =	ssyncadd.s32 s3;
	_ =	sdelay $0x1  }
0xa1: {  	s23 =	simm.s32 $0x1B8B  }
0xa2: {  	_ =	swait.ge [sflag:s23], $0x1  }
0xa3: {  	[sflag:s23] =	ssyncset.done $0x0  }
0xa4: {  	s25 =	simm.s32 $0x1B8E;
	s24 =	sld [smem:$0x3FFE];
	[sflag:s23] =	ssyncadd.s32 $0xFFFFFFFF  }
0xa5: {  	s26 =	simm.s32 $execute0_lowered;
	[smem:$0x3FD2] =	sst s25  }
0xa6: {  	s4 =	sshll.u32 s26, $0x1;
	_ =	strace $0x80000046;
	[dreg:$0x1] =	wrdreg $0xFFFFFFFF  }
0xa7: {  	s28 =	simm.s32 $_size_execute0_lowered;
	s2 =	sadd.s32 s2, s4;
	[dreg:$0x0] =	wrdreg $0x0  }
0xa8: {  	s4 =	sshll.u32 s28, $0x1;
	[dreg:$0x2] =	wrdreg s2  }
0xa9: {  	[dreg:$0x3] =	wrdreg s4  }
0xaa: {  	[dreg:$0x4] =	wrdreg $0xC0  }
0xab: {  	_ =	task [dreg:s6], $0x5FFFF  }
0xac: {  	[dreg:$0x1] =	wrdreg $0xFFFFFFFF  }
0xad: {  	[dreg:$0x0] =	wrdreg $0x60  }
0xae: {  	[dreg:$0x2] =	wrdreg s24  }
0xaf: {  	[dreg:$0x3] =	wrdreg $0x9  }
0xb0: {  	_ =	task.clear_ibuf [dreg:s6], $0x4FFFF;
	_ =	strace $0x90000046  }
0xb1: {  	s29 =	simm.s32 $0x9;
	_ =	strace $0x80000048  }
0xb2: {  	_ =	swait.ge [sflag:s29], $0x1  }
0xb3: {  	[sflag:s29] =	ssyncadd.s32 $0xFFFFFFFF  }
0xb4: {  	_ =	strace $0x90000048  }
0xb5: {  	_ =	sfence  }
0xb6: {  	s30 =	sld [smem:$0x0];
	_ =	sdelay $0x2  }
0xb7: {  	s31 =	sshll.u32 s1, $0xD;
	s1 =	sshrl.u32 s1, $0x2  }
0xb8: {  	s3 =	sand.u32 $0x4000, s31;
	s1 =	sadd.s32 s1, s30  }
0xb9: {  	s0 =	sor.u32 s3, s0;
	s1 =	sshll.u32 s1, $0x11  }
0xba: {  	s0 =	sor.u32 s1, s0  }
0xbb: {  	s0 =	sadd.s32 $0x8F2B, s0  }
0xbc: {  	[sflag:s0] =	ssyncadd.remote.s32 $0x1  }
0xbd: {  	_ =	sfence.sel $0xFFFF  }
0xbe: {  	[dreg:$0x0] =	wrdreg $0xFFFFFFFF;
	(pc) =	sbr.abs _section_cstart, $3  }
0xbf: {  	[dreg:$0x1] =	wrdreg $0xFFFFFFFF  }
0xc0: {  	_ =	task.clear_ibuf [dreg:s6], $0x2FFFF;
	_ =	strace $0x9FFFFFFF  }
0xc1: {  	(tm) =	ssettm $0x7FFFFFFF  }
tec
execute0_lowered:
.L_overlay_start_1:
0x0: {  	(tag) =	ssettag $0x1  }
0x1: {  	s3 =	rddreg [dreg:$0x0]  }
0x2: {  	s1 =	simm.s32 $0x0;
	s4 =	srdreg.scid;
	s0 =	stileid.u32  }
0x3: {  	s16 =	simm.s32 $0xC000;
	s17 =	simm.s32 $0xE000;
	s18 =	simm.s32 $0x16000  }
0x4: {  	s19 =	simm.s32 $0x18000;
	s20 =	simm.s32 $0x1A000;
	s21 =	simm.s32 $0x1  }
0x5: {  	s22 =	simm.s32 $0x2;
	s23 =	simm.s32 $0x3;
	s24 =	simm.s32 $0x4  }
0x6: {  	s25 =	simm.s32 $0x0;
	[smem:$0x7FF] =	sst s1;
	s7 =	sadd.s32 $0xA00, s3  }
0x7: {  	s4 =	sand.u32 $0x1, s4;
	s8 =	sadd.s32 $0x200A00, s3;
	s9 =	sadd.s32 $0x280A00, s3  }
0x8: {  	s5 =	sshll.u32 s0, $0xF;
	s10 =	sadd.s32 $0x300A00, s3;
	s6 =	sshll.u32 s4, $0xE  }
0x9: {  	s12 =	sadd.s32 $0x380A00, s3;
	s4 =	ssub.s32 $0x2, s4;
	s5 =	sor.u32 s6, s5  }
0xa: {  	_ =	strace $0x80000047;
	s29 =	sshrl.u32 s4, $0x1;
	s11 =	sor.u32 $0x380000, s5  }
0xb: {  	s13 =	ssub.s32 s4, s29;
	s31 =	sor.u32 $0x382000, s5;
	s14 =	sshrl.u32 s11, $0x1  }
0xc: {  	s30 =	sshrl.u32 s11, $0x3;
	s15 =	sshrl.u32 s31, $0x1;
	s11 =	sshrl.u32 s31, $0x3  }
0xd: {  	s13 =	smax.u32 s13, $0x1;
	s3 =	sadd.s32 s7, s14;
	s4 =	sadd.s32 s8, s30  }
0xe: {  	s5 =	sadd.s32 s9, s30;
	s6 =	sadd.s32 s10, s30;
	s7 =	sadd.s32 s7, s15  }
0xf: {  	s8 =	sadd.s32 s8, s11;
	s9 =	sadd.s32 s9, s11;
	s10 =	sadd.s32 s10, s11  }
0x10: {  	v0 =	vlaneseq.u32;
	s11 =	sadd.s32 s12, s14;
	s12 =	sadd.s32 s12, s15;
	s15 =	simm.s32 $0xA000  }
.LBB2_1:
0x11: {  	[tilespmem:s1], [sflag:$0x1] =	stream.linear.gather [hbm4b:s3+s1], $0x8000, $0x38;
	[tilespmem:$0x1C000] =	vst v63  }
0x12: {  	s0 =	simm.s32 $0x8000  }
0x13: {  	[tilespmem:s0], [sflag:$0x1] =	stream.linear.gather [hbm4b:s4+s1], $0x2000, $0x38;
	[tilespmem:$0x1C000] =	vst v63  }
0x14: {  	_ = 	snop  }
0x15: {  	[tilespmem:s15], [sflag:$0x1] =	stream.linear.gather [hbm4b:s5+s1], $0x2000, $0x38;
	[tilespmem:$0x1C000] =	vst v63  }
0x16: {  	_ = 	snop  }
0x17: {  	[tilespmem:s16], [sflag:$0x1] =	stream.linear.gather [hbm4b:s6+s1], $0x2000, $0x38;
	[tilespmem:$0x1C000] =	vst v63  }
0x18: {  	_ = 	snop  }
0x19: {  	[tilespmem:s17], [sflag:$0x2] =	stream.linear.gather [hbm4b:s7+s1], $0x8000, $0x38;
	[tilespmem:$0x1C000] =	vst v63  }
0x1a: {  	_ = 	snop  }
0x1b: {  	[tilespmem:s18], [sflag:$0x2] =	stream.linear.gather [hbm4b:s8+s1], $0x2000, $0x38;
	[tilespmem:$0x1C000] =	vst v63  }
0x1c: {  	_ = 	snop  }
0x1d: {  	[tilespmem:s19], [sflag:$0x2] =	stream.linear.gather [hbm4b:s9+s1], $0x2000, $0x38;
	[tilespmem:$0x1C000] =	vst v63  }
0x1e: {  	_ = 	snop  }
0x1f: {  	[tilespmem:s20], [sflag:$0x2] =	stream.linear.gather [hbm4b:s10+s1], $0x2000, $0x38;
	[tilespmem:$0x1C000] =	vst v63  }
0x20: {  	_ =	swait.ge [sflag:s21], $0x8000  }
0x21: {  	[sflag:s21] =	ssyncset.done $0x0  }
0x22: {  	[sflag:s21] =	ssyncadd.s32 $0xFFFF8000  }
0x23: {  	_ =	swait.ge [sflag:s21], $0x2000  }
0x24: {  	[sflag:s21] =	ssyncset.done $0x0  }
0x25: {  	[sflag:s21] =	ssyncadd.s32 $0xFFFFE000  }
0x26: {  	_ =	swait.ge [sflag:s21], $0x2000  }
0x27: {  	[sflag:s21] =	ssyncset.done $0x0  }
0x28: {  	[sflag:s21] =	ssyncadd.s32 $0xFFFFE000  }
0x29: {  	_ =	swait.ge [sflag:s21], $0x2000  }
0x2a: {  	[sflag:s21] =	ssyncset.done $0x0  }
0x2b: {  	s28 =	simm.s32 $0xA020;
	[sflag:s21] =	ssyncadd.s32 $0xFFFFE000  }
0x2c: {  	s26 =	simm.s32 $0x8020;
	v1 =	vld [tilespmem:s28+$0x10]  }
0x2d: {  	v2 =	vmov s1;
	v3 =	vor.u32 s1, v0;
	s29 =	simm.s32 $0x10;
	s30 =	simm.s32 $0x30;
	v5 =	vld [tilespmem:s26+$0x10]  }
0x2e: {  	s31 =	simm.s32 $0x20;
	v2 =	vshll.u32 v2, $0x2;
	v4 =	vmov s29;
	v6 =	vmov s30;
	v10 =	vld [tilespmem:s28+$0xFFFFFFE0]  }
0x2f: {  	v7 =	vmov s31;
	v8 =	vor.u32 s30, v0;
	v15 =	vor.u32 s31, v0;
	v12 =	vld [tilespmem:s28+$0xFFFFFFF0]  }
0x30: {  	s31 =	simm.s32 $0x60;
	v6 =	vshll.u32 v6, $0x2;
	v8 =	vand.u32 $0x7F, v8;
	v4 =	vshll.u32 v4, $0x2;
	v14 =	vld [tilespmem:s28+$0x0]  }
0x31: {  	v7 =	vshll.u32 v7, $0x2;
	v2 =	vand.u32 $0x7E00, v2;
	v60 =	vor.u32 s31, v0;
	v19 =	vld [tilespmem:s26+$0xFFFFFFE0]  }
0x32: {  	v6 =	vand.u32 $0x7E00, v6;
	v4 =	vand.u32 $0x7E00, v4;
	v7 =	vand.u32 $0x7E00, v7;
	v55 =	vld [tilespmem:s26+$0x0]  }
0x33: {  	v13 =	vor.u32 v6, v8;
	v9 =	vshll.u32 v1, $0x8;
	v11 =	vshll.u32 v1, $0xE  }
0x34: {  	s2 =	simm.s32 $0xA060;
	v5 =	vshll.u32 v5, $0x1;
	v16 =	vshll.u32 v10, $0x8;
	v17 =	vshll.u32 v12, $0x8  }
0x35: {  	v58 =	vld [tilespmem:s2+$0x0];
	v18 =	vshll.u32 v14, $0x8;
	v21 =	vshll.u32 v14, $0xE;
	v9 =	vand.u32 $0x100, v9  }
0x36: {  	v19 =	vshll.u32 v19, $0x1;
	v11 =	vand.u32 $0xFFFF8000, v11;
	v9 =	vor.u32 v9, v13  }
0x37: {  	v56 =	vshll.u32 v55, $0x1;
	v1 =	vadd.s32 v1, v5;
	v9 =	vor.u32 v11, v9  }
0x38: {  	v5 =	vshll.u32 v1, $0xD;
	v1 =	vshll.u32 v1, $0x7;
	v11 =	vor.u32 s29, v0  }
0x39: {  	v5 =	vand.u32 $0xFFFF8000, v5;
	v1 =	vand.u32 $0x180, v1;
	s29 =	simm.s32 $0x8060;
	v13 =	vor.u32 $0x80, v9  }
0x3a: {  	v26 =	vshll.u32 v58, $0x8;
	v30 =	vshll.u32 v58, $0xE;
	v1 =	vor.u32 v5, v1;
	v36 =	vld [tilespmem:s29+$0xFFFFFFE0]  }
0x3b: {  	v26 =	vand.u32 $0x100, v26;
	v38 =	vand.u32 $0xFFFF8000, v30;
	v29 =	vld [tilespmem:s29+$0x0];
	v1 =	vor.u32 v6, v1  }
0x3c: {  	v5 =	vor.u32 v8, v1;
	v1 =	vand.u32 $0x4F, v3;
	v8 =	vand.u32 $0x100, v16;
	v6 =	vld.idx.msk [tilespmem:v9+s1+$0x0], $0xffff  }
0x3d: {  	v16 =	vand.u32 $0x100, v17;
	v9 =	vand.u32 $0x5F, v11;
	v11 =	vand.u32 $0x6F, v15;
	v15 =	vld [tilespmem:s26+$0xFFFFFFF0]  }
0x3e: {  	v17 =	vand.u32 $0x100, v18;
	v22 =	vor.u32 v2, v1;
	v3 =	vld.idx.msk [tilespmem:v13+s1+$0x0], $0xffff;
	v13 =	vshll.u32 v10, $0xE  }
0x3f: {  	v18 =	vshll.u32 v12, $0xE;
	v8 =	vor.u32 v8, v22;
	v13 =	vand.u32 $0xFFFF8000, v13  }
0x40: {  	s28 =	simm.s32 $0xC020;
	v18 =	vand.u32 $0xFFFF8000, v18;
	v20 =	vor.u32 v4, v9;
	v8 =	vor.u32 v13, v8  }
0x41: {  	v23 =	vor.u32 v7, v11;
	v10 =	vadd.s32 v10, v19;
	v16 =	vor.u32 v16, v20;
	v20 =	vld [tilespmem:s28+$0x10]  }
0x42: {  	v40 =	vshll.u32 v36, $0x1;
	v44 =	vshll.u32 v29, $0x1;
	v13 =	vor.u32 v17, v23  }
0x43: {  	v15 =	vshll.u32 v15, $0x1;
	v3 =	vmax.f32 v6, v3;
	v6 =	vor.u32 v18, v16  }
0x44: {  	v17 =	vld.idx.msk [tilespmem:v5+s1+$0x0], $0xffff;
	v16 =	vand.u32 $0xFFFF8000, v21;
	v18 =	vor.u32 $0x80, v8;
	v3 =	vmul.f32 $8.000000110e-01, v3  }
0x45: {  	v13 =	vor.u32 v16, v13;
	v16 =	vor.u32 $0x80, v6;
	v19 =	vld.idx.msk [tilespmem:v8+s1+$0x0], $0xffff;
	v8 =	vadd.s32 v12, v15  }
0x46: {  	v12 =	vadd.s32 v14, v56;
	v3 =	vadd.f32 v3, v20;
	v20 =	vor.u32 $0x80, v13  }
0x47: {  	v15 =	vshll.u32 v8, $0xD;
	v8 =	vshll.u32 v8, $0x7;
	v21 =	vshll.u32 v12, $0xD  }
0x48: {  	v12 =	vshll.u32 v12, $0x7;
	v15 =	vand.u32 $0xFFFF8000, v15;
	v57 =	vand.u32 $0x180, v8  }
0x49: {  	v12 =	vand.u32 $0x180, v12;
	v3 =	vsub.f32 v3, v17;
	v14 =	vld.idx.msk [tilespmem:v6+s1+$0x0], $0xffff;
	v6 =	vshll.u32 v10, $0xD  }
0x4a: {  	v10 =	vshll.u32 v10, $0x7;
	v18 =	vld.idx.msk [tilespmem:v18+s1+$0x0], $0xffff;
	v15 =	vor.u32 v15, v57;
	v6 =	vand.u32 $0xFFFF8000, v6  }
0x4b: {  	v16 =	vld.idx.msk [tilespmem:v16+s1+$0x0], $0xffff;
	v10 =	vand.u32 $0x180, v10;
	v4 =	vor.u32 v4, v15;
	v15 =	vmov s31  }
0x4c: {  	v3 =	vmul.f32 $8.000000110e-01, v3;
	v6 =	vor.u32 v6, v10;
	v10 =	vand.u32 $0xFFFF8000, v21;
	v20 =	vld.idx.msk [tilespmem:v20+s1+$0x0], $0xffff  }
0x4d: {  	v15 =	vshll.u32 v15, $0x2;
	v21 =	vadd.s32 v58, v44;
	v10 =	vor.u32 v10, v12;
	v12 =	vld [tilespmem:s28+$0x0]  }
0x4e: {  	v2 =	vor.u32 v2, v6;
	v15 =	vand.u32 $0x7E00, v15;
	v8 =	vadd.f32 v3, v17;
	v3 =	vld.idx.msk [tilespmem:v13+s1+$0x0], $0xffff  }
0x4f: {  	v51 =	vshll.u32 v21, $0xD;
	v21 =	vshll.u32 v21, $0x7;
	v13 =	vld [tilespmem:s28+$0xFFFFFFE0];
	v10 =	vor.u32 v7, v10  }
0x50: {  	v17 =	vld [tilespmem:s28+$0xFFFFFFF0];
	v52 =	vand.u32 $0xFFFF8000, v51;
	v21 =	vand.u32 $0x180, v21;
	v7 =	vmax.f32 v19, v18  }
0x51: {  	v6 =	vor.u32 v1, v2;
	s28 =	simm.s32 $0x40;
	v19 =	vld [tilespmem:s2+$0xFFFFFFF0];
	v21 =	vor.u32 v52, v21;
	v2 =	vmul.f32 $8.000000110e-01, v7  }
0x52: {  	s30 =	simm.s32 $0x70;
	v1 =	vmax.f32 v14, v16;
	v7 =	vor.u32 v9, v4;
	v9 =	vld [tilespmem:s2+$0x10];
	v14 =	vor.u32 s28, v0  }
0x53: {  	v16 =	vor.u32 s30, v0;
	v4 =	vmul.f32 $8.000000110e-01, v1;
	v1 =	vor.u32 v11, v10  }
0x54: {  	v16 =	vand.u32 $0x7F, v16;
	v3 =	vmax.f32 v3, v20;
	v11 =	vadd.f32 v2, v13  }
0x55: {  	v4 =	vadd.f32 v4, v17;
	v13 =	vmov s30;
	v2 =	vmul.f32 $8.000000110e-01, v3  }
0x56: {  	s30 =	simm.s32 $0xB0;
	v3 =	vmov s28;
	v13 =	vshll.u32 v13, $0x2;
	v25 =	vshll.u32 v19, $0x8  }
0x57: {  	v17 =	vld [tilespmem:s2+$0xFFFFFFE0];
	v27 =	vshll.u32 v19, $0xE;
	v55 =	vor.u32 s30, v0;
	v18 =	vshll.u32 v9, $0x8  }
0x58: {  	v41 =	vld.idx.msk [tilespmem:v6+s1+$0x0], $0xffff;
	v13 =	vand.u32 $0x7E00, v13;
	v20 =	vshll.u32 v9, $0xE;
	v35 =	vand.u32 $0x100, v25  }
0x59: {  	s28 =	simm.s32 $0x50;
	v27 =	vand.u32 $0xFFFF8000, v27;
	v10 =	vadd.f32 v2, v12;
	v2 =	vshll.u32 v3, $0x2;
	v12 =	vld [tilespmem:s29+$0x10]  }
0x5a: {  	v3 =	vmov s28;
	v18 =	vand.u32 $0x100, v18;
	v59 =	vor.u32 v13, v16  }
0x5b: {  	v20 =	vand.u32 $0xFFFF8000, v20;
	v3 =	vshll.u32 v3, $0x2;
	v18 =	vor.u32 v18, v59  }
0x5c: {  	v2 =	vand.u32 $0x7E00, v2;
	v18 =	vor.u32 v20, v18;
	v20 =	vor.u32 s28, v0  }
0x5d: {  	v52 =	vld.idx.msk [tilespmem:v1+s1+$0x0], $0xffff;
	v24 =	vshll.u32 v17, $0x8;
	v3 =	vand.u32 $0x7E00, v3;
	v63 =	vshll.u32 v17, $0xE  }
0x5e: {  	v17 =	vadd.s32 v17, v40;
	v11 =	vsub.f32 v11, v41;
	v12 =	vshll.u32 v12, $0x1  }
0x5f: {  	v62 =	vld [tilespmem:s29+$0xFFFFFFF0];
	v20 =	vand.u32 $0x5F, v20;
	v9 =	vadd.s32 v9, v12;
	v12 =	vor.u32 $0x80, v18  }
0x60: {  	s28 =	simm.s32 $0x80;
	v22 =	vand.u32 $0xFFFF8000, v63;
	v61 =	vshll.u32 v9, $0xD;
	v9 =	vshll.u32 v9, $0x7  }
0x61: {  	v54 =	vmov s28;
	v23 =	vand.u32 $0xFFFF8000, v61;
	v9 =	vand.u32 $0x180, v9  }
0x62: {  	v59 =	vor.u32 s28, v0;
	v10 =	vsub.f32 v10, v52;
	v9 =	vor.u32 v23, v9  }
0x63: {  	v28 =	vor.u32 v3, v20;
	v11 =	vmul.f32 $8.000000110e-01, v11;
	v18 =	vld.idx.msk [tilespmem:v18+s1+$0x0], $0xffff;
	v9 =	vor.u32 v13, v9  }
0x64: {  	v10 =	vmul.f32 $8.000000110e-01, v10;
	v23 =	vshll.u32 v62, $0x1;
	v13 =	vor.u32 v16, v9;
	v12 =	vld.idx.msk [tilespmem:v12+s1+$0x0], $0xffff  }
0x65: {  	s14 =	simm.s32 $0xC060;
	v19 =	vadd.s32 v19, v23;
	v9 =	vand.u32 $0x4F, v14;
	v14 =	vand.u32 $0x100, v24  }
0x66: {  	v32 =	vld [tilespmem:s14+$0x10];
	s29 =	simm.s32 $0xA0A0;
	v16 =	vand.u32 $0x6F, v60;
	v24 =	vor.u32 v35, v28;
	v31 =	vor.u32 v2, v9  }
0x67: {  	v61 =	vld [tilespmem:s29+$0xFFFFFFF0];
	v50 =	vshll.u32 v19, $0xD;
	v37 =	vor.u32 v15, v16;
	v14 =	vor.u32 v14, v31  }
0x68: {  	v63 =	vld [tilespmem:s29+$0x0];
	v19 =	vshll.u32 v19, $0x7;
	v26 =	vor.u32 v26, v37;
	v14 =	vor.u32 v22, v14  }
0x69: {  	s26 =	simm.s32 $0x80A0;
	v15 =	vor.u32 v15, v21;
	v42 =	vor.u32 v38, v26;
	v39 =	vld.idx.msk [tilespmem:v13+s1+$0x0], $0xffff;
	v12 =	vmax.f32 v18, v12  }
0x6a: {  	v35 =	vld [tilespmem:s26+$0xFFFFFFE0];
	v21 =	vshll.u32 v54, $0x2;
	v43 =	vor.u32 $0x80, v14;
	v12 =	vmul.f32 $8.000000110e-01, v12  }
0x6b: {  	v47 =	vld [tilespmem:s14+$0xFFFFFFE0];
	v19 =	vand.u32 $0x180, v19;
	v21 =	vand.u32 $0x7E00, v21;
	v18 =	vor.u32 v27, v24  }
0x6c: {  	v45 =	vld.idx.msk [tilespmem:v7+s1+$0x0], $0xffff;
	v36 =	vshll.u32 v61, $0xE;
	v46 =	vor.u32 $0x80, v18;
	v12 =	vadd.f32 v12, v32  }
0x6d: {  	v38 =	vshll.u32 v63, $0xE;
	v36 =	vand.u32 $0xFFFF8000, v36;
	v48 =	vor.u32 $0x80, v42;
	v49 =	vld.idx.msk [tilespmem:v14+s1+$0x0], $0xffff  }
0x6e: {  	v51 =	vand.u32 $0xFFFF8000, v38;
	v27 =	vand.u32 $0xFFFF8000, v50;
	v25 =	vld.idx.msk [tilespmem:v42+s1+$0x0], $0xffff;
	v12 =	vsub.f32 v12, v39  }
0x6f: {  	v35 =	vshll.u32 v35, $0x1;
	v14 =	vshll.u32 v17, $0xD;
	v17 =	vshll.u32 v17, $0x7;
	v26 =	vld.idx.msk [tilespmem:v43+s1+$0x0], $0xffff  }
0x70: {  	s31 =	simm.s32 $0xA0;
	v33 =	vand.u32 $0xFFFF8000, v14;
	v17 =	vand.u32 $0x180, v17;
	v18 =	vld.idx.msk [tilespmem:v18+s1+$0x0], $0xffff;
	v12 =	vmul.f32 $8.000000110e-01, v12  }
0x71: {  	v19 =	vor.u32 v27, v19;
	v43 =	vmov s31;
	v17 =	vor.u32 v33, v17;
	v22 =	vld.idx.msk [tilespmem:v46+s1+$0x0], $0xffff  }
0x72: {  	v29 =	vshll.u32 v43, $0x2;
	v2 =	vor.u32 v2, v17;
	v14 =	vadd.f32 v12, v39;
	v12 =	vld.idx.msk [tilespmem:v48+s1+$0x0], $0xffff  }
0x73: {  	v17 =	vor.u32 v3, v19;
	v46 =	vshll.u32 v61, $0x8;
	v3 =	vor.u32 v9, v2  }
0x74: {  	v60 =	vld [tilespmem:s29+$0xFFFFFFE0];
	v2 =	vor.u32 v20, v17;
	v17 =	vsub.f32 v4, v45;
	v9 =	vmax.f32 v49, v26  }
0x75: {  	v19 =	vld [tilespmem:s29+$0x10];
	v29 =	vand.u32 $0x7E00, v29;
	v4 =	vor.u32 v16, v15;
	v9 =	vmul.f32 $8.000000110e-01, v9  }
0x76: {  	v31 =	vand.u32 $0x100, v46;
	v17 =	vmul.f32 $8.000000110e-01, v17;
	v18 =	vmax.f32 v18, v22  }
0x77: {  	v20 =	vld [tilespmem:s14+$0x0];
	v16 =	vmul.f32 $8.000000110e-01, v18;
	v15 =	vadd.f32 v9, v47;
	v12 =	vmax.f32 v25, v12  }
0x78: {  	v18 =	vadd.f32 v11, v41;
	v11 =	vld [tilespmem:s26+$0x10];
	v9 =	vmul.f32 $8.000000110e-01, v12;
	v12 =	vmov s30  }
0x79: {  	v26 =	vand.u32 $0x4F, v59;
	v48 =	vshll.u32 v60, $0xE;
	v12 =	vshll.u32 v12, $0x2  }
0x7a: {  	v56 =	vshll.u32 v19, $0x8;
	v22 =	vand.u32 $0x7F, v55;
	v12 =	vand.u32 $0x7E00, v12  }
0x7b: {  	v57 =	vshll.u32 v19, $0xE;
	v23 =	vand.u32 $0x100, v56;
	v58 =	vor.u32 v12, v22  }
0x7c: {  	v17 =	vadd.f32 v17, v45;
	v24 =	vand.u32 $0xFFFF8000, v57;
	v23 =	vor.u32 v23, v58  }
0x7d: {  	v20 =	vadd.f32 v9, v20;
	v9 =	vshll.u32 v11, $0x1;
	v11 =	vor.u32 v24, v23  }
0x7e: {  	v45 =	vor.u32 s31, v0;
	v9 =	vadd.s32 v19, v9;
	v19 =	vor.u32 $0x80, v11  }
0x7f: {  	v49 =	vor.u32 v21, v26;
	v33 =	vand.u32 $0xFFFF8000, v48;
	v30 =	vand.u32 $0x6F, v45  }
0x80: {  	v53 =	vld [tilespmem:s14+$0xFFFFFFF0];
	v50 =	vor.u32 v29, v30;
	s30 =	simm.s32 $0x90;
	v42 =	vshll.u32 v9, $0xD;
	v9 =	vshll.u32 v9, $0x7  }
0x81: {  	v47 =	vld [tilespmem:s26+$0xFFFFFFF0];
	v62 =	vmov s30;
	v28 =	vand.u32 $0xFFFF8000, v42;
	v9 =	vand.u32 $0x180, v9  }
0x82: {  	v44 =	vor.u32 s30, v0;
	v24 =	vshll.u32 v62, $0x2;
	v9 =	vor.u32 v28, v9;
	v11 =	vld.idx.msk [tilespmem:v11+s1+$0x0], $0xffff  }
0x83: {  	v24 =	vand.u32 $0x7E00, v24;
	v28 =	vand.u32 $0x5F, v44;
	v9 =	vor.u32 v12, v9;
	v19 =	vld.idx.msk [tilespmem:v19+s1+$0x0], $0xffff  }
0x84: {  	v12 =	vshll.u32 v60, $0x8;
	v37 =	vor.u32 v24, v28;
	v22 =	vor.u32 v22, v9  }
0x85: {  	s29 =	simm.s32 $0xC0A0;
	[tilespmem:v7+s1+$0x0] =	vst.idx.msk $0xffff, v17;
	v17 =	vadd.f32 v10, v52;
	v12 =	vand.u32 $0x100, v12;
	v31 =	vor.u32 v31, v37  }
0x86: {  	v34 =	vld [tilespmem:s29+$0x10];
	v16 =	vadd.f32 v16, v53;
	v12 =	vor.u32 v12, v49;
	v31 =	vor.u32 v36, v31  }
0x87: {  	v57 =	vld [tilespmem:s29+$0xFFFFFFE0];
	v25 =	vadd.s32 v60, v35;
	v32 =	vshll.u32 v47, $0x1;
	v33 =	vor.u32 v33, v12  }
0x88: {  	v58 =	vshll.u32 v25, $0xD;
	v54 =	vor.u32 $0x80, v33;
	v11 =	vmax.f32 v11, v19;
	v19 =	vld [tilespmem:s26+$0x0]  }
0x89: {  	v25 =	vshll.u32 v25, $0x7;
	v23 =	vadd.s32 v61, v32;
	v9 =	vshll.u32 v63, $0x8;
	v39 =	vld.idx.msk [tilespmem:v22+s1+$0x0], $0xffff  }
0x8a: {  	v9 =	vand.u32 $0x100, v9;
	v12 =	vld.idx.msk [tilespmem:v2+s1+$0x0], $0xffff;
	v55 =	vor.u32 $0x80, v31;
	v11 =	vmul.f32 $8.000000110e-01, v11  }
0x8b: {  	[tilespmem:v5+s1+$0x0] =	vst.idx.msk $0xffff, v8;
	v59 =	vshll.u32 v23, $0xD;
	v23 =	vshll.u32 v23, $0x7;
	v9 =	vor.u32 v9, v50;
	v31 =	vld.idx.msk [tilespmem:v31+s1+$0x0], $0xffff  }
0x8c: {  	v60 =	vand.u32 $0xFFFF8000, v59;
	v33 =	vld.idx.msk [tilespmem:v33+s1+$0x0], $0xffff;
	v11 =	vadd.f32 v11, v34;
	v34 =	vor.u32 v51, v9  }
0x8d: {  	[tilespmem:v13+s1+$0x0] =	vst.idx.msk $0xffff, v14;
	v13 =	vand.u32 $0x180, v23;
	v8 =	vld.idx.msk [tilespmem:v54+s1+$0x0], $0xffff;
	v56 =	vor.u32 $0x80, v34;
	v19 =	vshll.u32 v19, $0x1  }
0x8e: {  	v13 =	vor.u32 v60, v13;
	v53 =	vsub.f32 v11, v39;
	v11 =	vld.idx.msk [tilespmem:v3+s1+$0x0], $0xffff;
	v19 =	vadd.s32 v63, v19  }
0x8f: {  	v13 =	vor.u32 v24, v13;
	v35 =	vld.idx.msk [tilespmem:v55+s1+$0x0], $0xffff;
	v5 =	vshll.u32 v19, $0xD;
	v19 =	vshll.u32 v19, $0x7  }
0x90: {  	[tilespmem:v6+s1+$0x0] =	vst.idx.msk $0xffff, v18;
	v9 =	vld.idx.msk [tilespmem:v4+s1+$0x0], $0xffff;
	v37 =	vmul.f32 $8.000000110e-01, v53;
	v5 =	vand.u32 $0xFFFF8000, v5;
	v14 =	vand.u32 $0x180, v19  }
0x91: {  	v25 =	vand.u32 $0x180, v25;
	v13 =	vor.u32 v28, v13;
	v62 =	vld.idx.msk [tilespmem:v34+s1+$0x0], $0xffff;
	v5 =	vor.u32 v5, v14  }
0x92: {  	v37 =	vadd.f32 v37, v39;
	v39 =	vand.u32 $0xFFFF8000, v58;
	v61 =	vld.idx.msk [tilespmem:v56+s1+$0x0], $0xffff;
	v5 =	vor.u32 v29, v5  }
0x93: {  	v19 =	vor.u32 v30, v5;
	v5 =	vmax.f32 v33, v8;
	v8 =	vsub.f32 v15, v11;
	v15 =	vld [tilespmem:s29+$0xFFFFFFF0]  }
0x94: {  	v6 =	vmax.f32 v31, v35;
	v63 =	vsub.f32 v16, v12;
	v25 =	vor.u32 v39, v25  }
0x95: {  	v10 =	vld [tilespmem:s29+$0x0];
	v7 =	vmul.f32 $8.000000110e-01, v6;
	v14 =	vor.u32 v21, v25;
	v5 =	vmul.f32 $8.000000110e-01, v5  }
0x96: {  	v16 =	vsub.f32 v20, v9;
	v18 =	vmul.f32 $8.000000110e-01, v63;
	v14 =	vor.u32 v26, v14  }
0x97: {  	s31 =	simm.s32 $0xA0E0;
	s30 =	simm.s32 $0x8;
	[tilespmem:v22+s1+$0x0] =	vst.idx.msk $0xffff, v37;
	v8 =	vmul.f32 $8.000000110e-01, v8;
	v5 =	vadd.f32 v5, v57;
	v6 =	vmax.f32 v62, v61  }
.LBB2_2:
0x98: {  	v20 =	vld [tilespmem:s31+$0x10];
	s30 =	sadd.s32 $0x4, s30;
	v7 =	vadd.f32 v7, v15;
	v15 =	vmul.f32 $8.000000110e-01, v6;
	v6 =	vmul.f32 $8.000000110e-01, v16;
	[tilespmem:v1+s1+$0x0] =	vst.idx.msk $0xffff, v17;
	v1 =	vmovc v4  }
0x99: {  	s28 =	sadd.s32 $0x40, s28;
	v11 =	vadd.f32 v8, v11;
	v4 =	vmov v19;
	v16 =	vld [tilespmem:s31+$0xFFFFFFE0];
	p0 =	slt.u32 s30, $0x1FC;
	v12 =	vadd.f32 v18, v12  }
0x9a: {  	s26 =	sadd.s32 $0x40, s26;
	v17 =	vmov s28;
	v18 =	vor.u32 s28, v0;
	s0 =	sadd.s32 $0x10, s28;
	s2 =	sadd.s32 $0x30, s28;
	v19 =	vld [tilespmem:s31+$0xFFFFFFF0];
	v8 =	vadd.f32 v15, v10  }
0x9b: {  	s14 =	sadd.s32 $0x20, s28;
	v10 =	vshll.u32 v17, $0x2;
	v15 =	vmov s0;
	v21 =	vmov s2;
	v17 =	vld [tilespmem:s26+$0x10];
	[tilespmem:v3+s1+$0x0] =	vst.idx.msk $0xffff, v11;
	v3 =	vmovc v14  }
0x9c: {  	v22 =	vor.u32 s2, v0;
	v11 =	vmov s14;
	v21 =	vshll.u32 v21, $0x2;
	v14 =	vld [tilespmem:s31+$0x0];
	[tilespmem:v2+s1+$0x0] =	vst.idx.msk $0xffff, v12;
	v2 =	vmovc v13  }
0x9d: {  	v22 =	vand.u32 $0x7F, v22;
	v21 =	vand.u32 $0x7E00, v21;
	v13 =	vld [tilespmem:s26+$0xFFFFFFF0];
	v12 =	vshll.u32 v20, $0x8  }
0x9e: {  	v24 =	vshll.u32 v20, $0xE;
	v25 =	vor.u32 v21, v22;
	v23 =	vld [tilespmem:s26+$0x0];
	v12 =	vand.u32 $0x100, v12  }
0x9f: {  	v15 =	vshll.u32 v15, $0x2;
	v24 =	vand.u32 $0xFFFF8000, v24;
	v26 =	vld [tilespmem:s26+$0xFFFFFFE0];
	v12 =	vor.u32 v12, v25  }
0xa0: {  	v25 =	vshll.u32 v11, $0x2;
	v17 =	vshll.u32 v17, $0x1;
	v24 =	vor.u32 v24, v12;
	v11 =	vld.idx.msk [tilespmem:v3+s1+$0x0], $0xffff  }
0xa1: {  	v27 =	vor.u32 s0, v0;
	v17 =	vadd.s32 v20, v17;
	v20 =	vor.u32 $0x80, v24;
	v12 =	vld.idx.msk [tilespmem:v2+s1+$0x0], $0xffff  }
0xa2: {  	v28 =	vor.u32 s14, v0;
	v29 =	vshll.u32 v17, $0xD;
	v17 =	vshll.u32 v17, $0x7;
	v30 =	vld.idx.msk [tilespmem:v4+s1+$0x0], $0xffff  }
0xa3: {  	v31 =	vshll.u32 v16, $0x8;
	v29 =	vand.u32 $0xFFFF8000, v29;
	v17 =	vand.u32 $0x180, v17  }
0xa4: {  	v32 =	vshll.u32 v19, $0x8;
	v33 =	vshll.u32 v14, $0x8;
	v17 =	vor.u32 v29, v17  }
0xa5: {  	v25 =	vand.u32 $0x7E00, v25;
	v29 =	vand.u32 $0x7E00, v15;
	v15 =	vld.idx.msk [tilespmem:v24+s1+$0x0], $0xffff;
	v17 =	vor.u32 v21, v17  }
0xa6: {  	v21 =	vand.u32 $0x7E00, v10;
	v24 =	vand.u32 $0x5F, v27;
	v10 =	vld.idx.msk [tilespmem:v20+s1+$0x0], $0xffff;
	v17 =	vor.u32 v22, v17  }
0xa7: {  	v18 =	vand.u32 $0x4F, v18;
	v20 =	vand.u32 $0x100, v31;
	v22 =	vand.u32 $0x6F, v28  }
0xa8: {  	v27 =	vshll.u32 v16, $0xE;
	v28 =	vand.u32 $0x100, v32;
	v31 =	vand.u32 $0x100, v33  }
0xa9: {  	s29 =	sadd.s32 $0x40, s29;
	v34 =	vshll.u32 v14, $0xE;
	v32 =	vshll.u32 v19, $0xE;
	v33 =	vor.u32 v29, v24  }
0xaa: {  	v35 =	vor.u32 v21, v18;
	v28 =	vor.u32 v28, v33;
	v33 =	vor.u32 v25, v22;
	v36 =	vld [tilespmem:s29+$0x10]  }
0xab: {  	v27 =	vand.u32 $0xFFFF8000, v27;
	v20 =	vor.u32 v20, v35;
	v31 =	vor.u32 v31, v33;
	v33 =	vld.idx.msk [tilespmem:v17+s1+$0x0], $0xffff  }
0xac: {  	v34 =	vand.u32 $0xFFFF8000, v34;
	v32 =	vand.u32 $0xFFFF8000, v32;
	v10 =	vmax.f32 v15, v10;
	v35 =	vld [tilespmem:s29+$0xFFFFFFE0]  }
0xad: {  	v20 =	vor.u32 v27, v20;
	v27 =	vor.u32 v32, v28;
	v28 =	vmul.f32 $8.000000110e-01, v10;
	v15 =	vld [tilespmem:s29+$0xFFFFFFF0]  }
0xae: {  	v13 =	vshll.u32 v13, $0x1;
	v26 =	vshll.u32 v26, $0x1;
	v31 =	vor.u32 v34, v31;
	v10 =	vld [tilespmem:s29+$0x0]  }
0xaf: {  	v23 =	vshll.u32 v23, $0x1;
	v32 =	vor.u32 $0x80, v20;
	v28 =	vadd.f32 v28, v36  }
0xb0: {  	v16 =	vadd.s32 v16, v26;
	v26 =	vor.u32 $0x80, v27;
	v34 =	vor.u32 $0x80, v31  }
0xb1: {  	v13 =	vadd.s32 v19, v13;
	v14 =	vadd.s32 v14, v23;
	v19 =	vsub.f32 v28, v33  }
0xb2: {  	v23 =	vshll.u32 v16, $0xD;
	v16 =	vshll.u32 v16, $0x7;
	v28 =	vshll.u32 v13, $0xD;
	v20 =	vld.idx.msk [tilespmem:v20+s1+$0x0], $0xffff  }
0xb3: {  	v36 =	vshll.u32 v14, $0xD;
	v13 =	vshll.u32 v13, $0x7;
	v27 =	vld.idx.msk [tilespmem:v27+s1+$0x0], $0xffff;
	v19 =	vmul.f32 $8.000000110e-01, v19  }
0xb4: {  	v23 =	vand.u32 $0xFFFF8000, v23;
	v16 =	vand.u32 $0x180, v16;
	v14 =	vshll.u32 v14, $0x7;
	v32 =	vld.idx.msk [tilespmem:v32+s1+$0x0], $0xffff  }
0xb5: {  	v28 =	vand.u32 $0xFFFF8000, v28;
	v13 =	vand.u32 $0x180, v13;
	v26 =	vld.idx.msk [tilespmem:v26+s1+$0x0], $0xffff;
	v19 =	vadd.f32 v19, v33  }
0xb6: {  	v16 =	vor.u32 v23, v16;
	v14 =	vand.u32 $0x180, v14;
	v33 =	vand.u32 $0xFFFF8000, v36;
	v23 =	vld.idx.msk [tilespmem:v34+s1+$0x0], $0xffff  }
0xb7: {  	v13 =	vor.u32 v28, v13;
	v14 =	vor.u32 v33, v14;
	v28 =	vld.idx.msk [tilespmem:v31+s1+$0x0], $0xffff;
	[tilespmem:v17+s1+$0x0] =	vst.idx.msk $0xffff, v19  }
0xb8: {  	v16 =	vor.u32 v21, v16;
	v13 =	vor.u32 v29, v13;
	v17 =	vor.u32 v25, v14  }
.Ltmp0:
0xb9: {  	v13 =	vor.u32 v24, v13;
	v14 =	vor.u32 v18, v16;
	v19 =	vor.u32 v22, v17;
	(pc) =	sbr.rel @p0 .LBB2_2-.Ltmp0, $4  }
0xba: {  	v5 =	vsub.f32 v5, v11;
	v18 =	vsub.f32 v7, v12;
	v16 =	vmax.f32 v20, v32  }
0xbb: {  	v20 =	vmul.f32 $8.000000110e-01, v16;
	v7 =	vmax.f32 v27, v26;
	v16 =	vsub.f32 v8, v30  }
0xbc: {  	v17 =	vadd.f32 v6, v9;
	v9 =	vmovc v30;
	v8 =	vmul.f32 $8.000000110e-01, v5;
	v7 =	vmul.f32 $8.000000110e-01, v7  }
0xbd: {  	s31 =	sadd.s32 $0x40, s31;
	v18 =	vmul.f32 $8.000000110e-01, v18;
	v5 =	vadd.f32 v20, v35;
	v6 =	vmax.f32 v28, v23  }
0xbe: {  	_ =	sdelay $0x3  }
0xbf: {  	v20 =	vld.idx.msk [tilespmem:v14+s1+$0x0], $0xffff  }
0xc0: {  	v21 =	vld.idx.msk [tilespmem:v13+s1+$0x0], $0xffff  }
0xc1: {  	v22 =	vld.idx.msk [tilespmem:v19+s1+$0x0], $0xffff  }
0xc2: {  	v6 =	vmul.f32 $8.000000110e-01, v6  }
0xc3: {  	v7 =	vadd.f32 v7, v15  }
0xc4: {  	v6 =	vadd.f32 v6, v10;
	v5 =	vsub.f32 v5, v20  }
0xc5: {  	v8 =	vadd.f32 v8, v11;
	v10 =	vmul.f32 $8.000000110e-01, v16;
	v7 =	vsub.f32 v7, v21  }
0xc6: {  	[tilespmem:v1+s1+$0x0] =	vst.idx.msk $0xffff, v17;
	v1 =	vadd.f32 v18, v12;
	v6 =	vsub.f32 v6, v22;
	v5 =	vmul.f32 $8.000000110e-01, v5  }
0xc7: {  	[tilespmem:v3+s1+$0x0] =	vst.idx.msk $0xffff, v8;
	v3 =	vadd.f32 v10, v9;
	v7 =	vmul.f32 $8.000000110e-01, v7  }
0xc8: {  	[tilespmem:v2+s1+$0x0] =	vst.idx.msk $0xffff, v1;
	v1 =	vmul.f32 $8.000000110e-01, v6;
	v2 =	vadd.f32 v5, v20  }
0xc9: {  	[tilespmem:v4+s1+$0x0] =	vst.idx.msk $0xffff, v3;
	v3 =	vadd.f32 v7, v21  }
0xca: {  	v1 =	vadd.f32 v1, v22;
	[tilespmem:v14+s1+$0x0] =	vst.idx.msk $0xffff, v2  }
0xcb: {  	[tilespmem:v13+s1+$0x0] =	vst.idx.msk $0xffff, v3  }
0xcc: {  	s0 =	simm.s32 $0x0;
	[tilespmem:v19+s1+$0x0] =	vst.idx.msk $0xffff, v1  }
0xcd: {  	[hbm4b:s11+s0] =	stream.linear.scatter [tilespmem:s0], [sflag:$0x3], $0x8000, $0x38;
	[tilespmem:$0x1C000] =	vst v63  }
0xce: {  	_ =	swait.ge [sflag:s22], $0x8000  }
0xcf: {  	[sflag:s22] =	ssyncset.done $0x0  }
0xd0: {  	[sflag:s22] =	ssyncadd.s32 $0xFFFF8000  }
0xd1: {  	_ =	swait.ge [sflag:s22], $0x2000  }
0xd2: {  	[sflag:s22] =	ssyncset.done $0x0  }
0xd3: {  	[sflag:s22] =	ssyncadd.s32 $0xFFFFE000  }
0xd4: {  	_ =	swait.ge [sflag:s22], $0x2000  }
0xd5: {  	[sflag:s22] =	ssyncset.done $0x0  }
0xd6: {  	[sflag:s22] =	ssyncadd.s32 $0xFFFFE000  }
0xd7: {  	_ =	swait.ge [sflag:s22], $0x2000  }
0xd8: {  	s2 =	simm.s32 $0x18020;
	[sflag:s22] =	ssyncset.done $0x0  }
0xd9: {  	s14 =	simm.s32 $0x30;
	s28 =	simm.s32 $0x20;
	[sflag:s22] =	ssyncadd.s32 $0xFFFFE000  }
0xda: {  	v15 =	vor.u32 s28, v0;
	v6 =	vmov s14;
	v1 =	vld [tilespmem:s2+$0x10]  }
0xdb: {  	s26 =	simm.s32 $0x16020;
	v8 =	vor.u32 s14, v0;
	v6 =	vshll.u32 v6, $0x2;
	v7 =	vmov s28  }
0xdc: {  	v8 =	vand.u32 $0x7F, v8;
	v6 =	vand.u32 $0x7E00, v6;
	s28 =	simm.s32 $0x60;
	v7 =	vshll.u32 v7, $0x2;
	v5 =	vld [tilespmem:s26+$0x10]  }
0xdd: {  	v60 =	vor.u32 s28, v0;
	v2 =	vmov s0;
	v3 =	vor.u32 s0, v0  }
0xde: {  	v13 =	vor.u32 v6, v8;
	v7 =	vand.u32 $0x7E00, v7;
	s0 =	simm.s32 $0x10;
	v2 =	vshll.u32 v2, $0x2;
	v10 =	vld [tilespmem:s2+$0xFFFFFFE0]  }
0xdf: {  	v4 =	vmov s0;
	v2 =	vand.u32 $0x7E00, v2;
	v12 =	vld [tilespmem:s2+$0xFFFFFFF0];
	v9 =	vshll.u32 v1, $0x8  }
0xe0: {  	v4 =	vshll.u32 v4, $0x2;
	v14 =	vld [tilespmem:s2+$0x0];
	v11 =	vshll.u32 v1, $0xE;
	v9 =	vand.u32 $0x100, v9  }
0xe1: {  	v19 =	vld [tilespmem:s26+$0xFFFFFFE0];
	v5 =	vshll.u32 v5, $0x1;
	v11 =	vand.u32 $0xFFFF8000, v11;
	v9 =	vor.u32 v9, v13  }
0xe2: {  	v4 =	vand.u32 $0x7E00, v4;
	v1 =	vadd.s32 v1, v5;
	v9 =	vor.u32 v11, v9  }
0xe3: {  	v5 =	vshll.u32 v1, $0xD;
	v1 =	vshll.u32 v1, $0x7;
	v13 =	vor.u32 $0x80, v9  }
0xe4: {  	v16 =	vshll.u32 v10, $0x8;
	v5 =	vand.u32 $0xFFFF8000, v5;
	v1 =	vand.u32 $0x180, v1  }
0xe5: {  	v17 =	vshll.u32 v12, $0x8;
	v18 =	vshll.u32 v14, $0x8;
	v1 =	vor.u32 v5, v1  }
0xe6: {  	v53 =	vshll.u32 v14, $0xE;
	v19 =	vshll.u32 v19, $0x1;
	v1 =	vor.u32 v6, v1  }
0xe7: {  	v11 =	vor.u32 s0, v0;
	v5 =	vor.u32 v8, v1;
	v1 =	vand.u32 $0x4F, v3;
	v6 =	vld.idx.msk [tilespmem:v9+s17+$0x0], $0xffff  }
0xe8: {  	v8 =	vand.u32 $0x100, v16;
	v16 =	vand.u32 $0x100, v17;
	v17 =	vand.u32 $0x100, v18;
	v3 =	vld.idx.msk [tilespmem:v13+s17+$0x0], $0xffff  }
0xe9: {  	v55 =	vld [tilespmem:s26+$0x0];
	v18 =	vshll.u32 v12, $0xE;
	v54 =	vor.u32 v2, v1;
	v9 =	vand.u32 $0x5F, v11  }
0xea: {  	s14 =	simm.s32 $0x1A020;
	v11 =	vand.u32 $0x6F, v15;
	v15 =	vld [tilespmem:s26+$0xFFFFFFF0];
	v13 =	vshll.u32 v10, $0xE;
	v20 =	vor.u32 v4, v9  }
0xeb: {  	v8 =	vor.u32 v8, v54;
	v16 =	vor.u32 v16, v20;
	v20 =	vld [tilespmem:s14+$0x10];
	v13 =	vand.u32 $0xFFFF8000, v13  }
0xec: {  	s0 =	simm.s32 $0x18060;
	v18 =	vand.u32 $0xFFFF8000, v18;
	v23 =	vor.u32 v7, v11;
	v8 =	vor.u32 v13, v8  }
0xed: {  	v58 =	vld [tilespmem:s0+$0x0];
	v13 =	vor.u32 v17, v23;
	v3 =	vmax.f32 v6, v3;
	v6 =	vor.u32 v18, v16  }
0xee: {  	v17 =	vld.idx.msk [tilespmem:v5+s17+$0x0], $0xffff;
	v16 =	vand.u32 $0xFFFF8000, v53;
	v18 =	vor.u32 $0x80, v8;
	v3 =	vmul.f32 $8.000000110e-01, v3  }
0xef: {  	v56 =	vshll.u32 v55, $0x1;
	v13 =	vor.u32 v16, v13;
	v16 =	vor.u32 $0x80, v6  }
0xf0: {  	v15 =	vshll.u32 v15, $0x1;
	v3 =	vadd.f32 v3, v20;
	v20 =	vor.u32 $0x80, v13  }
0xf1: {  	v10 =	vadd.s32 v10, v19;
	v19 =	vld.idx.msk [tilespmem:v8+s17+$0x0], $0xffff;
	v8 =	vadd.s32 v12, v15;
	v12 =	vadd.s32 v14, v56  }
0xf2: {  	v26 =	vshll.u32 v58, $0x8;
	v21 =	vshll.u32 v12, $0xD;
	v12 =	vshll.u32 v12, $0x7;
	v14 =	vld.idx.msk [tilespmem:v6+s17+$0x0], $0xffff  }
0xf3: {  	v3 =	vsub.f32 v3, v17;
	v6 =	vshll.u32 v10, $0xD;
	v10 =	vshll.u32 v10, $0x7;
	v18 =	vld.idx.msk [tilespmem:v18+s17+$0x0], $0xffff  }
0xf4: {  	v12 =	vand.u32 $0x180, v12;
	v16 =	vld.idx.msk [tilespmem:v16+s17+$0x0], $0xffff;
	v6 =	vand.u32 $0xFFFF8000, v6;
	v10 =	vand.u32 $0x180, v10  }
0xf5: {  	v3 =	vmul.f32 $8.000000110e-01, v3;
	v6 =	vor.u32 v6, v10;
	v10 =	vand.u32 $0xFFFF8000, v21;
	v20 =	vld.idx.msk [tilespmem:v20+s17+$0x0], $0xffff  }
0xf6: {  	v15 =	vshll.u32 v8, $0xD;
	v8 =	vshll.u32 v8, $0x7;
	v10 =	vor.u32 v10, v12;
	v12 =	vld [tilespmem:s14+$0x0]  }
0xf7: {  	v15 =	vand.u32 $0xFFFF8000, v15;
	v57 =	vand.u32 $0x180, v8;
	v8 =	vadd.f32 v3, v17;
	v3 =	vld.idx.msk [tilespmem:v13+s17+$0x0], $0xffff  }
0xf8: {  	v30 =	vshll.u32 v58, $0xE;
	v26 =	vand.u32 $0x100, v26;
	v15 =	vor.u32 v15, v57;
	v13 =	vld [tilespmem:s14+$0xFFFFFFE0]  }
0xf9: {  	v38 =	vand.u32 $0xFFFF8000, v30;
	v4 =	vor.u32 v4, v15;
	v15 =	vmov s28;
	v17 =	vld [tilespmem:s14+$0xFFFFFFF0]  }
0xfa: {  	s28 =	simm.s32 $0x80;
	v15 =	vshll.u32 v15, $0x2;
	v10 =	vor.u32 v7, v10;
	s14 =	simm.s32 $0x16060;
	v7 =	vmax.f32 v19, v18;
	v19 =	vld [tilespmem:s0+$0xFFFFFFF0]  }
0xfb: {  	v54 =	vmov s28;
	v2 =	vor.u32 v2, v6;
	v15 =	vand.u32 $0x7E00, v15;
	v36 =	vld [tilespmem:s14+$0xFFFFFFE0]  }
0xfc: {  	s26 =	simm.s32 $0x40;
	v6 =	vor.u32 v1, v2;
	v29 =	vld [tilespmem:s14+$0x0];
	v2 =	vmul.f32 $8.000000110e-01, v7;
	v1 =	vmax.f32 v14, v16  }
0xfd: {  	v7 =	vor.u32 v9, v4;
	v9 =	vld [tilespmem:s0+$0x10];
	v14 =	vor.u32 s26, v0;
	v4 =	vmul.f32 $8.000000110e-01, v1  }
0xfe: {  	v1 =	vor.u32 v11, v10;
	v3 =	vmax.f32 v3, v20;
	v11 =	vadd.f32 v2, v13  }
0xff: {  	v4 =	vadd.f32 v4, v17;
	v2 =	vmul.f32 $8.000000110e-01, v3;
	v3 =	vmov s26  }
0x100: {  	s26 =	simm.s32 $0x70;
	v25 =	vshll.u32 v19, $0x8;
	v27 =	vshll.u32 v19, $0xE;
	v40 =	vshll.u32 v36, $0x1  }
0x101: {  	v44 =	vshll.u32 v29, $0x1;
	v13 =	vmov s26;
	v16 =	vor.u32 s26, v0  }
0x102: {  	v18 =	vshll.u32 v9, $0x8;
	v20 =	vshll.u32 v9, $0xE;
	v35 =	vand.u32 $0x100, v25  }
0x103: {  	s2 =	simm.s32 $0x50;
	v27 =	vand.u32 $0xFFFF8000, v27;
	v21 =	vadd.s32 v58, v44;
	v10 =	vadd.f32 v2, v12  }
0x104: {  	v17 =	vld [tilespmem:s0+$0xFFFFFFE0];
	v2 =	vshll.u32 v3, $0x2;
	v3 =	vmov s2;
	v13 =	vshll.u32 v13, $0x2  }
0x105: {  	v41 =	vld.idx.msk [tilespmem:v6+s17+$0x0], $0xffff;
	v16 =	vand.u32 $0x7F, v16;
	v18 =	vand.u32 $0x100, v18;
	v20 =	vand.u32 $0xFFFF8000, v20  }
0x106: {  	v12 =	vld [tilespmem:s14+$0x10];
	v51 =	vshll.u32 v21, $0xD;
	v21 =	vshll.u32 v21, $0x7;
	v13 =	vand.u32 $0x7E00, v13  }
0x107: {  	v62 =	vld [tilespmem:s14+$0xFFFFFFF0];
	s14 =	simm.s32 $0xB0;
	v3 =	vshll.u32 v3, $0x2;
	v2 =	vand.u32 $0x7E00, v2;
	v52 =	vand.u32 $0xFFFF8000, v51  }
0x108: {  	v21 =	vand.u32 $0x180, v21;
	v55 =	vor.u32 s14, v0;
	v59 =	vor.u32 v13, v16  }
0x109: {  	v24 =	vshll.u32 v17, $0x8;
	v3 =	vand.u32 $0x7E00, v3;
	v63 =	vshll.u32 v17, $0xE  }
0x10a: {  	v51 =	vld.idx.msk [tilespmem:v1+s17+$0x0], $0xffff;
	v17 =	vadd.s32 v17, v40;
	v21 =	vor.u32 v52, v21;
	v11 =	vsub.f32 v11, v41  }
0x10b: {  	v18 =	vor.u32 v18, v59;
	v22 =	vand.u32 $0xFFFF8000, v63;
	v12 =	vshll.u32 v12, $0x1  }
0x10c: {  	v59 =	vor.u32 s28, v0;
	v18 =	vor.u32 v20, v18;
	v9 =	vadd.s32 v9, v12  }
0x10d: {  	v12 =	vor.u32 $0x80, v18;
	v61 =	vshll.u32 v9, $0xD;
	v9 =	vshll.u32 v9, $0x7  }
0x10e: {  	v20 =	vor.u32 s2, v0;
	v23 =	vand.u32 $0xFFFF8000, v61;
	v9 =	vand.u32 $0x180, v9  }
0x10f: {  	s0 =	simm.s32 $0x180A0;
	v45 =	vld.idx.msk [tilespmem:v7+s17+$0x0], $0xffff;
	v20 =	vand.u32 $0x5F, v20;
	v10 =	vsub.f32 v10, v51;
	v9 =	vor.u32 v23, v9  }
0x110: {  	v63 =	vld [tilespmem:s0+$0x0];
	v11 =	vmul.f32 $8.000000110e-01, v11;
	v28 =	vor.u32 v3, v20;
	v9 =	vor.u32 v13, v9  }
0x111: {  	v10 =	vmul.f32 $8.000000110e-01, v10;
	v18 =	vld.idx.msk [tilespmem:v18+s17+$0x0], $0xffff;
	v13 =	vor.u32 v16, v9;
	v9 =	vand.u32 $0x4F, v14  }
0x112: {  	s2 =	simm.s32 $0x1A060;
	v14 =	vand.u32 $0x100, v24;
	v12 =	vld.idx.msk [tilespmem:v12+s17+$0x0], $0xffff;
	v16 =	vand.u32 $0x6F, v60;
	v31 =	vor.u32 v2, v9  }
0x113: {  	v32 =	vld [tilespmem:s2+$0x10];
	v23 =	vshll.u32 v62, $0x1;
	v37 =	vor.u32 v15, v16;
	v14 =	vor.u32 v14, v31  }
0x114: {  	v61 =	vld [tilespmem:s0+$0xFFFFFFF0];
	v19 =	vadd.s32 v19, v23;
	v26 =	vor.u32 v26, v37;
	v14 =	vor.u32 v22, v14  }
0x115: {  	v47 =	vld [tilespmem:s2+$0xFFFFFFE0];
	v50 =	vshll.u32 v19, $0xD;
	v19 =	vshll.u32 v19, $0x7;
	v42 =	vor.u32 v38, v26  }
0x116: {  	v53 =	vld [tilespmem:s2+$0xFFFFFFF0];
	v24 =	vor.u32 v35, v28;
	v19 =	vand.u32 $0x180, v19;
	v43 =	vor.u32 $0x80, v14  }
0x117: {  	s26 =	simm.s32 $0x160A0;
	v15 =	vor.u32 v15, v21;
	v39 =	vld.idx.msk [tilespmem:v13+s17+$0x0], $0xffff;
	v12 =	vmax.f32 v18, v12;
	v18 =	vor.u32 v27, v24  }
0x118: {  	v35 =	vld [tilespmem:s26+$0xFFFFFFE0];
	v21 =	vshll.u32 v54, $0x2;
	v12 =	vmul.f32 $8.000000110e-01, v12;
	v46 =	vor.u32 $0x80, v18  }
0x119: {  	v21 =	vand.u32 $0x7E00, v21;
	v36 =	vshll.u32 v61, $0xE;
	v38 =	vshll.u32 v63, $0xE;
	v49 =	vld.idx.msk [tilespmem:v14+s17+$0x0], $0xffff  }
0x11a: {  	v36 =	vand.u32 $0xFFFF8000, v36;
	v48 =	vor.u32 $0x80, v42;
	v12 =	vadd.f32 v12, v32;
	v25 =	vld.idx.msk [tilespmem:v42+s17+$0x0], $0xffff  }
0x11b: {  	v27 =	vand.u32 $0xFFFF8000, v50;
	v14 =	vshll.u32 v17, $0xD;
	v17 =	vshll.u32 v17, $0x7;
	v26 =	vld.idx.msk [tilespmem:v43+s17+$0x0], $0xffff  }
0x11c: {  	v33 =	vand.u32 $0xFFFF8000, v14;
	v17 =	vand.u32 $0x180, v17;
	v12 =	vsub.f32 v12, v39;
	v18 =	vld.idx.msk [tilespmem:v18+s17+$0x0], $0xffff  }
0x11d: {  	v50 =	vand.u32 $0xFFFF8000, v38;
	v19 =	vor.u32 v27, v19;
	v17 =	vor.u32 v33, v17;
	v22 =	vld.idx.msk [tilespmem:v46+s17+$0x0], $0xffff  }
0x11e: {  	v2 =	vor.u32 v2, v17;
	v17 =	vor.u32 v3, v19;
	v19 =	vld [tilespmem:s0+$0x10];
	v12 =	vmul.f32 $8.000000110e-01, v12  }
0x11f: {  	v3 =	vor.u32 v9, v2;
	v2 =	vor.u32 v20, v17;
	v17 =	vsub.f32 v4, v45;
	v20 =	vld [tilespmem:s2+$0x0]  }
0x120: {  	v35 =	vshll.u32 v35, $0x1;
	v4 =	vor.u32 v16, v15;
	s2 =	simm.s32 $0x90;
	v14 =	vadd.f32 v12, v39;
	v12 =	vld.idx.msk [tilespmem:v48+s17+$0x0], $0xffff  }
0x121: {  	v62 =	vmov s2;
	v9 =	vmax.f32 v49, v26;
	v17 =	vmul.f32 $8.000000110e-01, v17  }
0x122: {  	v46 =	vld [tilespmem:s26+$0xFFFFFFF0];
	v43 =	vor.u32 s2, v0;
	v26 =	vand.u32 $0x4F, v59;
	v9 =	vmul.f32 $8.000000110e-01, v9  }
0x123: {  	v48 =	vor.u32 v21, v26;
	v18 =	vmax.f32 v18, v22;
	v17 =	vadd.f32 v17, v45  }
0x124: {  	v60 =	vld [tilespmem:s0+$0xFFFFFFE0];
	v56 =	vshll.u32 v19, $0x8;
	v22 =	vand.u32 $0x7F, v55;
	v57 =	vshll.u32 v19, $0xE  }
0x125: {  	v16 =	vmul.f32 $8.000000110e-01, v18;
	v18 =	vadd.f32 v11, v41;
	v11 =	vld [tilespmem:s26+$0x10];
	v12 =	vmax.f32 v25, v12  }
0x126: {  	v15 =	vadd.f32 v9, v47;
	v9 =	vmul.f32 $8.000000110e-01, v12;
	v12 =	vmov s14  }
0x127: {  	v45 =	vshll.u32 v61, $0x8;
	v32 =	vshll.u32 v46, $0x1;
	v12 =	vshll.u32 v12, $0x2  }
0x128: {  	v23 =	vand.u32 $0x100, v56;
	v24 =	vand.u32 $0xFFFF8000, v57;
	v12 =	vand.u32 $0x7E00, v12  }
0x129: {  	v47 =	vshll.u32 v60, $0xE;
	v31 =	vand.u32 $0x100, v45;
	v58 =	vor.u32 v12, v22  }
0x12a: {  	v20 =	vadd.f32 v9, v20;
	v9 =	vshll.u32 v11, $0x1;
	v23 =	vor.u32 v23, v58  }
0x12b: {  	v33 =	vand.u32 $0xFFFF8000, v47;
	v9 =	vadd.s32 v19, v9;
	v11 =	vor.u32 v24, v23  }
0x12c: {  	v41 =	vshll.u32 v9, $0xD;
	v9 =	vshll.u32 v9, $0x7;
	v19 =	vor.u32 $0x80, v11  }
0x12d: {  	[tilespmem:v7+s17+$0x0] =	vst.idx.msk $0xffff, v17;
	v17 =	vadd.f32 v10, v51;
	v28 =	vand.u32 $0xFFFF8000, v41;
	v9 =	vand.u32 $0x180, v9  }
0x12e: {  	v16 =	vadd.f32 v16, v53;
	v25 =	vadd.s32 v60, v35;
	v9 =	vor.u32 v28, v9  }
0x12f: {  	v57 =	vshll.u32 v25, $0xD;
	v24 =	vshll.u32 v62, $0x2;
	v9 =	vor.u32 v12, v9  }
0x130: {  	s14 =	simm.s32 $0xA0;
	v24 =	vand.u32 $0x7E00, v24;
	v28 =	vand.u32 $0x5F, v43;
	v22 =	vor.u32 v22, v9;
	v11 =	vld.idx.msk [tilespmem:v11+s17+$0x0], $0xffff  }
0x131: {  	v42 =	vmov s14;
	v44 =	vor.u32 s14, v0;
	v37 =	vor.u32 v24, v28;
	v19 =	vld.idx.msk [tilespmem:v19+s17+$0x0], $0xffff  }
0x132: {  	s29 =	simm.s32 $0x1A0A0;
	v29 =	vshll.u32 v42, $0x2;
	v12 =	vshll.u32 v60, $0x8;
	v31 =	vor.u32 v31, v37  }
0x133: {  	v34 =	vld [tilespmem:s29+$0x10];
	v30 =	vand.u32 $0x6F, v44;
	v12 =	vand.u32 $0x100, v12;
	v31 =	vor.u32 v36, v31  }
0x134: {  	v56 =	vld [tilespmem:s29+$0xFFFFFFE0];
	v29 =	vand.u32 $0x7E00, v29;
	v12 =	vor.u32 v12, v48;
	v54 =	vor.u32 $0x80, v31  }
0x135: {  	v49 =	vor.u32 v29, v30;
	v23 =	vadd.s32 v61, v32;
	v33 =	vor.u32 v33, v12;
	v39 =	vld.idx.msk [tilespmem:v22+s17+$0x0], $0xffff  }
0x136: {  	v58 =	vshll.u32 v23, $0xD;
	v9 =	vshll.u32 v63, $0x8;
	v11 =	vmax.f32 v11, v19;
	v19 =	vld [tilespmem:s26+$0x0]  }
0x137: {  	v9 =	vand.u32 $0x100, v9;
	v12 =	vld.idx.msk [tilespmem:v2+s17+$0x0], $0xffff;
	v53 =	vor.u32 $0x80, v33;
	v11 =	vmul.f32 $8.000000110e-01, v11  }
0x138: {  	[tilespmem:v13+s17+$0x0] =	vst.idx.msk $0xffff, v14;
	v23 =	vshll.u32 v23, $0x7;
	v59 =	vand.u32 $0xFFFF8000, v58;
	v9 =	vor.u32 v9, v49;
	v31 =	vld.idx.msk [tilespmem:v31+s17+$0x0], $0xffff  }
0x139: {  	v13 =	vand.u32 $0x180, v23;
	v35 =	vld.idx.msk [tilespmem:v54+s17+$0x0], $0xffff;
	v11 =	vadd.f32 v11, v34;
	v34 =	vor.u32 v50, v9  }
0x13a: {  	[tilespmem:v5+s17+$0x0] =	vst.idx.msk $0xffff, v8;
	v25 =	vshll.u32 v25, $0x7;
	v13 =	vor.u32 v59, v13;
	v33 =	vld.idx.msk [tilespmem:v33+s17+$0x0], $0xffff;
	v55 =	vor.u32 $0x80, v34  }
0x13b: {  	v13 =	vor.u32 v24, v13;
	v52 =	vsub.f32 v11, v39;
	v11 =	vld.idx.msk [tilespmem:v3+s17+$0x0], $0xffff;
	v19 =	vshll.u32 v19, $0x1  }
0x13c: {  	v25 =	vand.u32 $0x180, v25;
	v13 =	vor.u32 v28, v13;
	v8 =	vld.idx.msk [tilespmem:v53+s17+$0x0], $0xffff;
	v19 =	vadd.s32 v63, v19  }
0x13d: {  	v9 =	vld.idx.msk [tilespmem:v4+s17+$0x0], $0xffff;
	v37 =	vmul.f32 $8.000000110e-01, v52;
	v5 =	vshll.u32 v19, $0xD;
	v19 =	vshll.u32 v19, $0x7  }
0x13e: {  	[tilespmem:v6+s17+$0x0] =	vst.idx.msk $0xffff, v18;
	v6 =	vmax.f32 v31, v35;
	v5 =	vand.u32 $0xFFFF8000, v5;
	v14 =	vand.u32 $0x180, v19;
	v61 =	vld.idx.msk [tilespmem:v34+s17+$0x0], $0xffff  }
0x13f: {  	v63 =	vsub.f32 v16, v12;
	v37 =	vadd.f32 v37, v39;
	v60 =	vld.idx.msk [tilespmem:v55+s17+$0x0], $0xffff;
	v5 =	vor.u32 v5, v14  }
0x140: {  	v39 =	vand.u32 $0xFFFF8000, v57;
	v5 =	vor.u32 v29, v5;
	v62 =	vsub.f32 v15, v11;
	v15 =	vld [tilespmem:s29+$0xFFFFFFF0]  }
0x141: {  	v25 =	vor.u32 v39, v25;
	v19 =	vor.u32 v30, v5;
	v5 =	vmax.f32 v33, v8  }
0x142: {  	v10 =	vld [tilespmem:s29+$0x0];
	v7 =	vmul.f32 $8.000000110e-01, v6;
	v14 =	vor.u32 v21, v25;
	v5 =	vmul.f32 $8.000000110e-01, v5  }
0x143: {  	v18 =	vmul.f32 $8.000000110e-01, v63;
	v8 =	vsub.f32 v20, v9;
	v14 =	vor.u32 v26, v14  }
0x144: {  	s30 =	simm.s32 $0x8;
	s31 =	simm.s32 $0x180E0;
	[tilespmem:v22+s17+$0x0] =	vst.idx.msk $0xffff, v37;
	v16 =	vmul.f32 $8.000000110e-01, v62;
	v5 =	vadd.f32 v5, v56;
	v6 =	vmax.f32 v61, v60  }
.LBB2_4:
0x145: {  	v20 =	vld [tilespmem:s31+$0x10];
	s30 =	sadd.s32 $0x4, s30;
	v7 =	vadd.f32 v7, v15;
	v15 =	vmul.f32 $8.000000110e-01, v6;
	v6 =	vmul.f32 $8.000000110e-01, v8;
	[tilespmem:v1+s17+$0x0] =	vst.idx.msk $0xffff, v17;
	v1 =	vmovc v4  }
0x146: {  	s28 =	sadd.s32 $0x40, s28;
	v11 =	vadd.f32 v16, v11;
	v4 =	vmov v19;
	v17 =	vld [tilespmem:s31+$0xFFFFFFE0];
	p0 =	slt.u32 s30, $0x1FC;
	v12 =	vadd.f32 v18, v12  }
0x147: {  	s26 =	sadd.s32 $0x40, s26;
	v16 =	vmov s28;
	v18 =	vor.u32 s28, v0;
	s0 =	sadd.s32 $0x10, s28;
	s2 =	sadd.s32 $0x30, s28;
	v19 =	vld [tilespmem:s31+$0xFFFFFFF0];
	v8 =	vadd.f32 v15, v10  }
0x148: {  	s14 =	sadd.s32 $0x20, s28;
	v10 =	vshll.u32 v16, $0x2;
	v15 =	vmov s0;
	v21 =	vmov s2;
	v16 =	vld [tilespmem:s26+$0x10];
	[tilespmem:v3+s17+$0x0] =	vst.idx.msk $0xffff, v11;
	v3 =	vmovc v14  }
0x149: {  	v22 =	vor.u32 s2, v0;
	v11 =	vmov s14;
	v21 =	vshll.u32 v21, $0x2;
	v14 =	vld [tilespmem:s31+$0x0];
	[tilespmem:v2+s17+$0x0] =	vst.idx.msk $0xffff, v12;
	v2 =	vmovc v13  }
0x14a: {  	v22 =	vand.u32 $0x7F, v22;
	v21 =	vand.u32 $0x7E00, v21;
	v13 =	vld [tilespmem:s26+$0xFFFFFFF0];
	v12 =	vshll.u32 v20, $0x8  }
0x14b: {  	v24 =	vshll.u32 v20, $0xE;
	v25 =	vor.u32 v21, v22;
	v23 =	vld [tilespmem:s26+$0x0];
	v12 =	vand.u32 $0x100, v12  }
0x14c: {  	v15 =	vshll.u32 v15, $0x2;
	v24 =	vand.u32 $0xFFFF8000, v24;
	v26 =	vld [tilespmem:s26+$0xFFFFFFE0];
	v12 =	vor.u32 v12, v25  }
0x14d: {  	v25 =	vshll.u32 v11, $0x2;
	v16 =	vshll.u32 v16, $0x1;
	v24 =	vor.u32 v24, v12;
	v11 =	vld.idx.msk [tilespmem:v3+s17+$0x0], $0xffff  }
0x14e: {  	v27 =	vor.u32 s0, v0;
	v16 =	vadd.s32 v20, v16;
	v20 =	vor.u32 $0x80, v24;
	v12 =	vld.idx.msk [tilespmem:v2+s17+$0x0], $0xffff  }
0x14f: {  	v28 =	vor.u32 s14, v0;
	v29 =	vshll.u32 v16, $0xD;
	v16 =	vshll.u32 v16, $0x7;
	v30 =	vld.idx.msk [tilespmem:v4+s17+$0x0], $0xffff  }
0x150: {  	v31 =	vshll.u32 v17, $0x8;
	v29 =	vand.u32 $0xFFFF8000, v29;
	v16 =	vand.u32 $0x180, v16  }
0x151: {  	v32 =	vshll.u32 v19, $0x8;
	v33 =	vshll.u32 v14, $0x8;
	v16 =	vor.u32 v29, v16  }
0x152: {  	v25 =	vand.u32 $0x7E00, v25;
	v29 =	vand.u32 $0x7E00, v15;
	v15 =	vld.idx.msk [tilespmem:v24+s17+$0x0], $0xffff;
	v16 =	vor.u32 v21, v16  }
0x153: {  	v21 =	vand.u32 $0x7E00, v10;
	v24 =	vand.u32 $0x5F, v27;
	v10 =	vld.idx.msk [tilespmem:v20+s17+$0x0], $0xffff;
	v16 =	vor.u32 v22, v16  }
0x154: {  	v18 =	vand.u32 $0x4F, v18;
	v20 =	vand.u32 $0x100, v31;
	v22 =	vand.u32 $0x6F, v28  }
0x155: {  	v27 =	vshll.u32 v17, $0xE;
	v28 =	vand.u32 $0x100, v32;
	v31 =	vand.u32 $0x100, v33  }
0x156: {  	s29 =	sadd.s32 $0x40, s29;
	v34 =	vshll.u32 v14, $0xE;
	v32 =	vshll.u32 v19, $0xE;
	v33 =	vor.u32 v29, v24  }
0x157: {  	v35 =	vor.u32 v21, v18;
	v28 =	vor.u32 v28, v33;
	v33 =	vor.u32 v25, v22;
	v36 =	vld [tilespmem:s29+$0x10]  }
0x158: {  	v27 =	vand.u32 $0xFFFF8000, v27;
	v20 =	vor.u32 v20, v35;
	v31 =	vor.u32 v31, v33;
	v33 =	vld.idx.msk [tilespmem:v16+s17+$0x0], $0xffff  }
0x159: {  	v34 =	vand.u32 $0xFFFF8000, v34;
	v32 =	vand.u32 $0xFFFF8000, v32;
	v10 =	vmax.f32 v15, v10;
	v35 =	vld [tilespmem:s29+$0xFFFFFFE0]  }
0x15a: {  	v20 =	vor.u32 v27, v20;
	v27 =	vor.u32 v32, v28;
	v28 =	vmul.f32 $8.000000110e-01, v10;
	v15 =	vld [tilespmem:s29+$0xFFFFFFF0]  }
0x15b: {  	v13 =	vshll.u32 v13, $0x1;
	v26 =	vshll.u32 v26, $0x1;
	v31 =	vor.u32 v34, v31;
	v10 =	vld [tilespmem:s29+$0x0]  }
0x15c: {  	v23 =	vshll.u32 v23, $0x1;
	v32 =	vor.u32 $0x80, v20;
	v28 =	vadd.f32 v28, v36  }
0x15d: {  	v17 =	vadd.s32 v17, v26;
	v26 =	vor.u32 $0x80, v27;
	v34 =	vor.u32 $0x80, v31  }
0x15e: {  	v13 =	vadd.s32 v19, v13;
	v14 =	vadd.s32 v14, v23;
	v19 =	vsub.f32 v28, v33  }
0x15f: {  	v23 =	vshll.u32 v17, $0xD;
	v17 =	vshll.u32 v17, $0x7;
	v28 =	vshll.u32 v13, $0xD;
	v20 =	vld.idx.msk [tilespmem:v20+s17+$0x0], $0xffff  }
0x160: {  	v36 =	vshll.u32 v14, $0xD;
	v13 =	vshll.u32 v13, $0x7;
	v27 =	vld.idx.msk [tilespmem:v27+s17+$0x0], $0xffff;
	v19 =	vmul.f32 $8.000000110e-01, v19  }
0x161: {  	v23 =	vand.u32 $0xFFFF8000, v23;
	v17 =	vand.u32 $0x180, v17;
	v14 =	vshll.u32 v14, $0x7;
	v32 =	vld.idx.msk [tilespmem:v32+s17+$0x0], $0xffff  }
0x162: {  	v28 =	vand.u32 $0xFFFF8000, v28;
	v13 =	vand.u32 $0x180, v13;
	v26 =	vld.idx.msk [tilespmem:v26+s17+$0x0], $0xffff;
	v19 =	vadd.f32 v19, v33  }
0x163: {  	v17 =	vor.u32 v23, v17;
	v14 =	vand.u32 $0x180, v14;
	v33 =	vand.u32 $0xFFFF8000, v36;
	v23 =	vld.idx.msk [tilespmem:v34+s17+$0x0], $0xffff  }
0x164: {  	v13 =	vor.u32 v28, v13;
	v14 =	vor.u32 v33, v14;
	v28 =	vld.idx.msk [tilespmem:v31+s17+$0x0], $0xffff;
	[tilespmem:v16+s17+$0x0] =	vst.idx.msk $0xffff, v19  }
0x165: {  	v13 =	vor.u32 v29, v13;
	v16 =	vor.u32 v21, v17;
	v17 =	vor.u32 v25, v14  }
.Ltmp1:
0x166: {  	v13 =	vor.u32 v24, v13;
	v14 =	vor.u32 v18, v16;
	v19 =	vor.u32 v22, v17;
	(pc) =	sbr.rel @p0 .LBB2_4-.Ltmp1, $4  }
0x167: {  	v5 =	vsub.f32 v5, v11;
	v18 =	vsub.f32 v7, v12;
	v16 =	vmax.f32 v20, v32  }
0x168: {  	v8 =	vsub.f32 v8, v30;
	v20 =	vmul.f32 $8.000000110e-01, v16;
	v7 =	vmax.f32 v27, v26  }
0x169: {  	v17 =	vadd.f32 v6, v9;
	v9 =	vmovc v30;
	v16 =	vmul.f32 $8.000000110e-01, v5;
	v7 =	vmul.f32 $8.000000110e-01, v7  }
0x16a: {  	s31 =	sadd.s32 $0x40, s31;
	v18 =	vmul.f32 $8.000000110e-01, v18;
	v5 =	vadd.f32 v20, v35;
	v6 =	vmax.f32 v28, v23  }
0x16b: {  	_ =	sdelay $0x3  }
0x16c: {  	v20 =	vld.idx.msk [tilespmem:v14+s17+$0x0], $0xffff  }
0x16d: {  	v21 =	vld.idx.msk [tilespmem:v13+s17+$0x0], $0xffff  }
0x16e: {  	v22 =	vld.idx.msk [tilespmem:v19+s17+$0x0], $0xffff  }
0x16f: {  	v6 =	vmul.f32 $8.000000110e-01, v6  }
0x170: {  	v7 =	vadd.f32 v7, v15  }
0x171: {  	v6 =	vadd.f32 v6, v10;
	v5 =	vsub.f32 v5, v20  }
0x172: {  	v63 =	vadd.f32 v16, v11;
	v8 =	vmul.f32 $8.000000110e-01, v8;
	v7 =	vsub.f32 v7, v21  }
0x173: {  	[tilespmem:v1+s17+$0x0] =	vst.idx.msk $0xffff, v17;
	v1 =	vadd.f32 v18, v12;
	v6 =	vsub.f32 v6, v22;
	v5 =	vmul.f32 $8.000000110e-01, v5  }
0x174: {  	[tilespmem:v3+s17+$0x0] =	vst.idx.msk $0xffff, v63;
	v3 =	vadd.f32 v8, v9;
	v7 =	vmul.f32 $8.000000110e-01, v7  }
0x175: {  	[tilespmem:v2+s17+$0x0] =	vst.idx.msk $0xffff, v1;
	v1 =	vmul.f32 $8.000000110e-01, v6;
	v2 =	vadd.f32 v5, v20  }
0x176: {  	[tilespmem:v4+s17+$0x0] =	vst.idx.msk $0xffff, v3;
	v3 =	vadd.f32 v7, v21  }
0x177: {  	v1 =	vadd.f32 v1, v22;
	[tilespmem:v14+s17+$0x0] =	vst.idx.msk $0xffff, v2  }
0x178: {  	[tilespmem:v13+s17+$0x0] =	vst.idx.msk $0xffff, v3  }
0x179: {  	s25 =	sadd.s32 $0x1, s25;
	[tilespmem:v19+s17+$0x0] =	vst.idx.msk $0xffff, v1  }
0x17a: {  	[hbm4b:s12+s1] =	stream.linear.scatter [tilespmem:s17], [sflag:$0x4], $0x8000, $0x38;
	[tilespmem:$0x1C000] =	vst v63  }
0x17b: {  	p0 =	sne.s32 s25, s13;
	_ =	swait.ge [sflag:s23], $0x8000  }
.Ltmp2:
0x17c: {  	[sflag:s23] =	ssyncset.done $0x0;
	(pc) =	sbr.rel @p0 .LBB2_1-.Ltmp2, $4  }
0x17d: {  	[sflag:s23] =	ssyncadd.s32 $0xFFFF8000  }
0x17e: {  	_ =	swait.ge [sflag:s24], $0x8000  }
0x17f: {  	[sflag:s24] =	ssyncset.done $0x0  }
0x180: {  	[sflag:s24] =	ssyncadd.s32 $0xFFFF8000  }
0x181: {  	_ =	sfence.sel $0x180000  }
0x182: {  	[bflag:$0x0] =	sbarrier.arrive $0xFFFF  }
0x183: {  	_ =	strace $0x90000047  }
0x184: {  	s0 =	stileid.u32;
	[bflag:$0x2] =	sbarrier.arrive $0xFFFF  }
0x185: {  	p0 =	sne.s32 s0, $0x0;
	s0 =	rddreg [dreg:$0x1]  }
0x186: {  	s0 =	sadd.s32 @!p0 $0x100000, s0  }
0x187: {  	[sflag:s0] =	ssyncadd.tile.s32 @!p0 $0x1;
	_ =	shalt  }
.Lfunc_end2:
_tile_overlayer_lowered:
.L_overlay_start_2:
0x188: {  	(tag) =	ssettag $0x2  }
0x189: {  	s0 =	rddreg [dreg:$0x0];
	s2 =	stileid.u32  }
0x18a: {  	s1 =	rddreg [dreg:$0x1];
	p0 =	sne.s32 s2, $0x0  }
0x18b: {  	s3 =	rddreg [dreg:$0x2];
	[bflag:$0x3] =	sbarrier.arrive $0xFFFF;
	s2 =	simm.s32 @!p0 $0x1C05  }
0x18c: {  	[timem:s3], [sflag:s2] =	dma.local @!p0 [hbm:s0], s1  }
0x18d: {  	s0 =	simm.s32 @!p0 $0x5  }
0x18e: {  	_ =	swait.ge @!p0 [sflag:s0], s1  }
0x18f: {  	s1 =	ssub.s32 @!p0 $0x0, s1;
	[sflag:s0] =	ssyncset.done @!p0 $0x0  }
0x190: {  	[sflag:s0] =	ssyncadd.s32 @!p0 s1  }
0x191: {  	[bflag:$0x3] =	sbarrier.arrive $0xFFFF  }
0x192: {  	_ =	shalt  }

</sc_bundles>
